<compile_context>
chip_gen: v7x
topology: tpu7x:2x2x1
jax: 0.10.2.dev20260603
libtpu: 0.0.44.dev20260713+nightly
codegen_flags: <defaults>
</compile_context>

<pallas_src>
import functools

import jax
import jax.numpy as jnp
from jax import lax
from jax.experimental import pallas as pl
from jax.experimental.pallas import tpu as pltpu
from jax.experimental.pallas import tpu_sc as plsc

N = 262144
D = 258
H = 256
O = 5
E = 8

B = 512
C = 2 * N + E * B
NB = C // B
TG = 1024
TP = 256
N5H = (N // 2) * 5
M5 = N5H + 2048

NC = 2
NS = 16
NW = NC * NS
CH = 256
BC = 5504

def _sc_mesh():
    return plsc.VectorSubcoreMesh(core_axis_name="c", subcore_axis_name="s")



def _gate_block(x_ref, Wg_ref, bg_ref,
                xm_ref, xtp_ref, i1_ref, i2_ref, g1_ref, g2_ref, cnt_ref,
                cacc):
    pid = pl.program_id(0)

    @pl.when(pid == 0)
    def _():
        cacc[...] = jnp.zeros_like(cacc)

    x = x_ref[...]
    logits = jnp.dot(x, Wg_ref[...], preferred_element_type=jnp.float32)
    logits = logits + bg_ref[...][None, :]
    i1 = jnp.argmax(logits, axis=-1)
    m1 = jnp.max(logits, axis=-1)
    eidx = lax.broadcasted_iota(jnp.int32, (TG, E), 1)
    masked = jnp.where(eidx == i1[:, None].astype(jnp.int32), -jnp.inf, logits)
    i2 = jnp.argmax(masked, axis=-1)
    m2 = jnp.max(masked, axis=-1)
    t = jnp.exp(m2 - m1)
    g1 = 1.0 / (1.0 + t)
    g2 = t * g1

    xm_ref[...] = x[:, :256]
    tb = x[:, 256:258]
    fb = lax.bitcast_convert_type(tb, jnp.int32)
    r = (fb + 0x7FFF + ((fb >> 16) & 1)) >> 16
    xtp_ref[...] = (r[:, 0] << 16) | (r[:, 1] & 0xFFFF)

    i1 = i1.astype(jnp.int32)
    i2 = i2.astype(jnp.int32)
    i1_ref[...] = i1
    i2_ref[...] = i2
    tid = pid * TG + lax.broadcasted_iota(jnp.int32, (TG,), 0)
    g1_ref[...] = tid * 4096 + jnp.round(g1 * 4095.0).astype(jnp.int32)
    g2_ref[...] = tid * 4096 + jnp.round(g2 * 4095.0).astype(jnp.int32)
    oh = ((eidx == i1[:, None]).astype(jnp.float32)
          + (eidx == i2[:, None]).astype(jnp.float32))
    cacc[...] = cacc[...] + jnp.sum(oh, axis=0, keepdims=True)
    cnt_ref[...] = cacc[...].astype(jnp.int32)


def _gate(x, Wg, bg):
    grid = (N // TG,)
    return pl.pallas_call(
        _gate_block,
        grid=grid,
        in_specs=[
            pl.BlockSpec((TG, D), lambda i: (i, 0)),
            pl.BlockSpec(Wg.shape, lambda i: (0, 0)),
            pl.BlockSpec(bg.shape, lambda i: (0,)),
        ],
        out_specs=[
            pl.BlockSpec((TG, 256), lambda i: (i, 0)),
            pl.BlockSpec((TG,), lambda i: (i,)),
            pl.BlockSpec((TG,), lambda i: (i,)),
            pl.BlockSpec((TG,), lambda i: (i,)),
            pl.BlockSpec((TG,), lambda i: (i,)),
            pl.BlockSpec((TG,), lambda i: (i,)),
            pl.BlockSpec((1, E), lambda i: (0, 0)),
        ],
        out_shape=[
            jax.ShapeDtypeStruct((N, 256), jnp.float32),
            jax.ShapeDtypeStruct((N,), jnp.int32),
            jax.ShapeDtypeStruct((N,), jnp.int32),
            jax.ShapeDtypeStruct((N,), jnp.int32),
            jax.ShapeDtypeStruct((N,), jnp.int32),
            jax.ShapeDtypeStruct((N,), jnp.int32),
            jax.ShapeDtypeStruct((1, E), jnp.int32),
        ],
        scratch_shapes=[pltpu.VMEM((1, E), jnp.float32)],
    )(x, Wg, bg)



def _pos_block(i1_ref, i2_ref, off_ref, ltri_ref, pos1_ref, pos2_ref, base):
    pid = pl.program_id(0)

    @pl.when(pid == 0)
    def _():
        base[...] = jnp.zeros_like(base)

    i1 = i1_ref[...]
    i2 = i2_ref[...]
    eidx = lax.broadcasted_iota(jnp.int32, (TP, E), 1)
    oh1 = (eidx == i1[:, None]).astype(jnp.float32)
    oh2 = (eidx == i2[:, None]).astype(jnp.float32)
    ohc = oh1 + oh2
    rk = jnp.dot(ltri_ref[...], ohc, preferred_element_type=jnp.float32)
    tot = off_ref[...].astype(jnp.float32) + base[...] + rk
    pos1_ref[...] = jnp.sum(oh1 * tot, axis=1).astype(jnp.int32)
    pos2_ref[...] = jnp.sum(oh2 * tot, axis=1).astype(jnp.int32)
    base[...] = base[...] + jnp.sum(ohc, axis=0, keepdims=True)


def _positions(i1, i2, off, ltri):
    grid = (N // TP,)
    return pl.pallas_call(
        _pos_block,
        grid=grid,
        in_specs=[
            pl.BlockSpec((TP,), lambda i: (i,)),
            pl.BlockSpec((TP,), lambda i: (i,)),
            pl.BlockSpec((1, E), lambda i: (0, 0)),
            pl.BlockSpec((TP, TP), lambda i: (0, 0)),
        ],
        out_specs=[
            pl.BlockSpec((TP,), lambda i: (i,)),
            pl.BlockSpec((TP,), lambda i: (i,)),
        ],
        out_shape=[
            jax.ShapeDtypeStruct((N,), jnp.int32),
            jax.ShapeDtypeStruct((N,), jnp.int32),
        ],
        scratch_shapes=[pltpu.VMEM((1, E), jnp.float32)],
    )(i1, i2, off, ltri)



def _dispatch(xm, gp1, gp2, pos1, pos2, sg_init):
  k = functools.partial(
    pl.kernel, mesh=_sc_mesh(),
    out_type=(
        jax.ShapeDtypeStruct((C, 256), jnp.float32),
        jax.ShapeDtypeStruct((NC * C,), jnp.int32),
    ),
    scratch_types=[
        pltpu.VMEM((CH, 256), jnp.float32),
        pltpu.VMEM((CH,), jnp.int32),
        pltpu.VMEM((CH,), jnp.int32),
        pltpu.VMEM((CH,), jnp.int32),
        pltpu.VMEM((CH,), jnp.int32),
        pltpu.VMEM_SHARED((C,), jnp.int32),
        pltpu.SemaphoreType.DMA,
    ],
  )(_dispatch_body)
  return k(xm, gp1, gp2, pos1, pos2, sg_init)


def _dispatch_body(xm, gp1, gp2, pos1, pos2, sg_init,
              xs_o, sg_o,
              rows_v, p1_v, p2_v, gp1_v, gp2_v,
              sg_s, sem):
    cid = lax.axis_index("c")
    sid = lax.axis_index("s")
    wid = sid * NC + cid
    cs = C // NS
    pltpu.sync_copy(sg_init.at[pl.ds(sid * cs, cs)], sg_s.at[pl.ds(sid * cs, cs)])
    plsc.subcore_barrier()

    tpw = N // NW
    base0 = wid * tpw

    def chunk(c, carry):
        b0 = base0 + c * CH
        pltpu.sync_copy(xm.at[pl.ds(b0, CH)], rows_v)
        pltpu.sync_copy(pos1.at[pl.ds(b0, CH)], p1_v)
        pltpu.sync_copy(pos2.at[pl.ds(b0, CH)], p2_v)
        pltpu.sync_copy(gp1.at[pl.ds(b0, CH)], gp1_v)
        pltpu.sync_copy(gp2.at[pl.ds(b0, CH)], gp2_v)
        pltpu.async_copy(rows_v, xs_o.at[p1_v], sem).wait()
        pltpu.async_copy(rows_v, xs_o.at[p2_v], sem).wait()
        pltpu.sync_copy(gp1_v, sg_s.at[p1_v])
        pltpu.sync_copy(gp2_v, sg_s.at[p2_v])
        return carry

    lax.fori_loop(0, tpw // CH, chunk, 0)
    plsc.subcore_barrier()
    pltpu.sync_copy(sg_s.at[pl.ds(sid * cs, cs)],
                    sg_o.at[pl.ds(cid * C + sid * cs, cs)])


def _dispatch_tail(xtp, pos1, pos2, zi):
  k = functools.partial(
    pl.kernel, mesh=_sc_mesh(),
    out_type=jax.ShapeDtypeStruct((NC * C,), jnp.int32),
    scratch_types=[
        pltpu.VMEM((CH,), jnp.int32),
        pltpu.VMEM((CH,), jnp.int32),
        pltpu.VMEM((CH,), jnp.int32),
        pltpu.VMEM_SHARED((C,), jnp.int32),
    ],
  )(_dispatch_tail_body)
  return k(xtp, pos1, pos2, zi)


def _dispatch_tail_body(xtp, pos1, pos2, zi, us_o,
                        p1_v, p2_v, tp_v, us_s):
    cid = lax.axis_index("c")
    sid = lax.axis_index("s")
    wid = sid * NC + cid
    cs = C // NS
    pltpu.sync_copy(zi.at[pl.ds(sid * cs, cs)], us_s.at[pl.ds(sid * cs, cs)])
    plsc.subcore_barrier()

    tpw = N // NW
    base0 = wid * tpw

    def chunk(c, carry):
        b0 = base0 + c * CH
        pltpu.sync_copy(pos1.at[pl.ds(b0, CH)], p1_v)
        pltpu.sync_copy(pos2.at[pl.ds(b0, CH)], p2_v)
        pltpu.sync_copy(xtp.at[pl.ds(b0, CH)], tp_v)
        pltpu.sync_copy(tp_v, us_s.at[p1_v])
        pltpu.sync_copy(tp_v, us_s.at[p2_v])
        return carry

    lax.fori_loop(0, tpw // CH, chunk, 0)
    plsc.subcore_barrier()
    pltpu.sync_copy(us_s.at[pl.ds(sid * cs, cs)],
                    us_o.at[pl.ds(cid * C + sid * cs, cs)])



def _mlp_block(be_ref, xs_ref, ut0_ref, ut1_ref, sg0_ref, sg1_ref,
               W1_ref, b1_ref, W2_ref, b2_ref, W3_ref, b3_ref,
               W4_ref, b4_ref, out_ref):
    e = be_ref[pl.program_id(0)]
    xb = xs_ref[...].astype(jnp.bfloat16)
    W1b = W1_ref[pl.ds(e, 1)][0]
    h = jnp.dot(xb, W1b[:256], preferred_element_type=jnp.float32)
    ut = ut0_ref[0, 0] + ut1_ref[0, 0]
    ua = lax.bitcast_convert_type(ut & jnp.int32(-65536), jnp.float32)
    ub = lax.bitcast_convert_type(ut << 16, jnp.float32)
    u2 = jnp.concatenate([ua[:, None], ub[:, None]], axis=1).astype(jnp.bfloat16)
    h = h + jnp.dot(u2, W1b[256:258], preferred_element_type=jnp.float32)
    h = jnp.maximum(h + b1_ref[pl.ds(e, 1)][0], 0.0).astype(jnp.bfloat16)
    h = jnp.maximum(
        jnp.dot(h, W2_ref[pl.ds(e, 1)][0], preferred_element_type=jnp.float32)
        + b2_ref[pl.ds(e, 1)][0], 0.0).astype(jnp.bfloat16)
    h = jnp.maximum(
        jnp.dot(h, W3_ref[pl.ds(e, 1)][0], preferred_element_type=jnp.float32)
        + b3_ref[pl.ds(e, 1)][0], 0.0).astype(jnp.bfloat16)
    y = (jnp.dot(h, W4_ref[pl.ds(e, 1)][0], preferred_element_type=jnp.float32)
         + b4_ref[pl.ds(e, 1)][0])
    sp = jnp.minimum(sg0_ref[0, 0], sg1_ref[0, 0])
    g = (sp & 4095).astype(jnp.float32) * (1.0 / 4095.0)
    out_ref[...] = (y * g[:, None]).T


def _grouped_mlp(be, xs, ut0, ut1, sg0, sg1, W1, b1, W2, b2, W3, b3, W4p, b4p):
    grid_spec = pltpu.PrefetchScalarGridSpec(
        num_scalar_prefetch=1,
        grid=(NB,),
        in_specs=[
            pl.BlockSpec((B, 256), lambda i, be_: (i, 0)),
            pl.BlockSpec((1, 1, B), lambda i, be_: (i, 0, 0)),
            pl.BlockSpec((1, 1, B), lambda i, be_: (i, 0, 0)),
            pl.BlockSpec((1, 1, B), lambda i, be_: (i, 0, 0)),
            pl.BlockSpec((1, 1, B), lambda i, be_: (i, 0, 0)),
            pl.BlockSpec((E, D, 256), lambda i, be_: (0, 0, 0)),
            pl.BlockSpec((E, 1, 256), lambda i, be_: (0, 0, 0)),
            pl.BlockSpec((E, 256, 256), lambda i, be_: (0, 0, 0)),
            pl.BlockSpec((E, 1, 256), lambda i, be_: (0, 0, 0)),
            pl.BlockSpec((E, 256, 256), lambda i, be_: (0, 0, 0)),
            pl.BlockSpec((E, 1, 256), lambda i, be_: (0, 0, 0)),
            pl.BlockSpec((E, 256, 8), lambda i, be_: (0, 0, 0)),
            pl.BlockSpec((E, 1, 8), lambda i, be_: (0, 0, 0)),
        ],
        out_specs=pl.BlockSpec((8, B), lambda i, be_: (0, i)),
    )
    return pl.pallas_call(
        _mlp_block,
        grid_spec=grid_spec,
        out_shape=jax.ShapeDtypeStruct((8, C), jnp.float32),
    )(be, xs, ut0, ut1, sg0, sg1, W1, b1, W2, b2, W3, b3, W4p, b4p)



def _combine(ysw, sg, accz):
  k = functools.partial(
    pl.kernel, mesh=_sc_mesh(),
    out_type=jax.ShapeDtypeStruct((NC * M5,), jnp.float32),
    scratch_types=[
        pltpu.VMEM((BC,), jnp.int32),
        pltpu.VMEM((BC,), jnp.int32),
        pltpu.VMEM((BC,), jnp.int32),
        pltpu.VMEM((BC,), jnp.int32),
        pltpu.VMEM((BC,), jnp.float32),
        pltpu.VMEM_SHARED((M5,), jnp.float32),
    ],
  )(_combine_body)
  return k(ysw, sg, accz)


def _combine_body(ysw, sg, accz, out,
             t0_v, t1_v, tok5_v, idx_v, val_v, acc_s):
    cid = lax.axis_index("c")
    sid = lax.axis_index("s")
    ms = M5 // NS
    pltpu.sync_copy(accz.at[pl.ds(sid * ms, ms)], acc_s.at[pl.ds(sid * ms, ms)])
    plsc.subcore_barrier()

    sls = C // NS
    s0 = sid * sls
    lo = cid * N5H

    def chunk(c, carry):
        b0 = s0 + c * BC
        pltpu.sync_copy(sg.at[pl.ds(b0, BC)], t0_v)
        pltpu.sync_copy(sg.at[pl.ds(C + b0, BC)], t1_v)

        def mb(j, cc):
            sl = pl.ds(j * 16, 16)
            sp = jnp.minimum(t0_v[sl], t1_v[sl])
            loc = (sp >> 12) * 5 - lo
            ok = (loc >= 0) & (loc < N5H)
            tok5_v[sl] = jnp.where(ok, loc, N5H)
            return cc

        lax.fori_loop(0, BC // 16, mb, 0)
        for o in range(5):
            pltpu.sync_copy(ysw.at[pl.ds(o * C + b0, BC)], val_v)

            def ib(j, cc):
                sl = pl.ds(j * 16, 16)
                idx_v[sl] = tok5_v[sl] + o
                return cc

            lax.fori_loop(0, BC // 16, ib, 0)
            pltpu.sync_copy(val_v, acc_s.at[idx_v], add=True)
        return carry

    lax.fori_loop(0, sls // BC, chunk, 0)
    plsc.subcore_barrier()
    pltpu.sync_copy(acc_s.at[pl.ds(sid * ms, ms)],
                    out.at[pl.ds(cid * M5 + sid * ms, ms)])



def kernel(x, Wg, bg, W1, b1, W2, b2, W3, b3, W4, b4):
    xm, xtp, i1, i2, gp1, gp2, cnt = _gate(x, Wg, bg)

    counts = cnt[0]
    padded = ((counts + (B - 1)) // B) * B
    off = jnp.concatenate([jnp.zeros((1,), jnp.int32),
                           jnp.cumsum(padded)[:-1].astype(jnp.int32)])
    blk_off = off // B
    be = (jnp.sum((jnp.arange(NB, dtype=jnp.int32)[:, None]
                   >= blk_off[None, :]).astype(jnp.int32), axis=1) - 1)

    ltri = jnp.tril(jnp.ones((TP, TP), jnp.float32), -1)
    pos1, pos2 = _positions(i1, i2, off[None, :], ltri)

    sg_init = jnp.full((C,), N * 4096, jnp.int32)
    zi = jnp.zeros((C,), jnp.int32)
    xs, sg = _dispatch(xm, gp1, gp2, pos1, pos2, sg_init)
    us = _dispatch_tail(xtp, pos1, pos2, zi)

    W1b = W1.astype(jnp.bfloat16)
    W2b = W2.astype(jnp.bfloat16)
    W3b = W3.astype(jnp.bfloat16)
    W4p = jnp.pad(W4, ((0, 0), (0, 0), (0, 3))).astype(jnp.bfloat16)
    b4p = jnp.pad(b4, ((0, 0), (0, 3)))
    yswT = _grouped_mlp(be, xs,
                        us[:C].reshape(NB, 1, B), us[C:].reshape(NB, 1, B),
                        sg[:C].reshape(NB, 1, B), sg[C:].reshape(NB, 1, B),
                        W1b, b1[:, None], W2b, b2[:, None],
                        W3b, b3[:, None], W4p, b4p[:, None])

    accz = jnp.zeros((M5,), jnp.float32)
    acc = _combine(yswT.reshape(8 * C), sg, accz)
    out = jnp.concatenate([acc[:N5H], acc[M5:M5 + N5H]])
    return out.reshape(N, O)

# --- scband reference (transcript-rebuilt; emitter-appended) ---
"""Pipeline reference for scband-minet-53635551593077 (READ-ONLY COPY).

The authoritative reference and input builder live on the scoring server;
editing this copy changes nothing except your own understanding.
"""

import jax, jax.numpy as jnp
import numpy as np

N = 262144
D = 258
H = 256
O = 5
E = 8
K = 2


def setup_inputs(seed: int = 0) -> dict:
    key = jax.random.key(seed)
    ks = jax.random.split(key, 8)
    x = jax.random.normal(ks[0], (N, D), dtype=jnp.float32)
    Wg = jax.random.normal(ks[1], (D, E), dtype=jnp.float32) * (1.0 / np.sqrt(D))
    bg = jnp.zeros((E,), dtype=jnp.float32)
    W1 = jax.random.normal(ks[2], (E, D, H), dtype=jnp.float32) * (1.0 / np.sqrt(D))
    b1 = jnp.zeros((E, H), dtype=jnp.float32)
    W2 = jax.random.normal(ks[3], (E, H, H), dtype=jnp.float32) * (1.0 / np.sqrt(H))
    b2 = jnp.zeros((E, H), dtype=jnp.float32)
    W3 = jax.random.normal(ks[4], (E, H, H), dtype=jnp.float32) * (1.0 / np.sqrt(H))
    b3 = jnp.zeros((E, H), dtype=jnp.float32)
    W4 = jax.random.normal(ks[5], (E, H, O), dtype=jnp.float32) * (1.0 / np.sqrt(H))
    b4 = jnp.zeros((E, O), dtype=jnp.float32)
    return {
        'x': x, 'Wg': Wg, 'bg': bg,
        'W1': W1, 'b1': b1, 'W2': W2, 'b2': b2,
        'W3': W3, 'b3': b3, 'W4': W4, 'b4': b4,
    }


def reference(x, Wg, bg, W1, b1, W2, b2, W3, b3, W4, b4):
    # NaiveGate: linear gate -> top-k -> softmax over selected logits
    logits = x @ Wg + bg                              # [N, E]
    top_val, top_idx = jax.lax.top_k(logits, K)       # [N, K]
    gates = jax.nn.softmax(top_val, axis=-1)          # [N, K]
    # Expert5c MLP per expert: Linear-ReLU x3 + Linear(->5)
    ys = []
    for e in range(E):
        h = jax.nn.relu(x @ W1[e] + b1[e])
        h = jax.nn.relu(h @ W2[e] + b2[e])
        h = jax.nn.relu(h @ W3[e] + b3[e])
        ys.append(h @ W4[e] + b4[e])                  # [N, O]
    y = jnp.stack(ys, axis=1)                         # [N, E, O]
    # top-k dispatch/combine: gather each token's chosen expert outputs
    onehot = jax.nn.one_hot(top_idx, E, dtype=y.dtype)          # [N, K, E]
    sel = jnp.einsum('nke,neo->nko', onehot, y)                 # [N, K, O]
    out = jnp.sum(gates[:, :, None] * sel, axis=1)    # [N, O]
    return out

if __name__ == "__main__":
    import jax
    _d = setup_inputs()
    print(jax.jit(kernel)(*tuple(_d.values())))

</pallas_src>

<mosaic_0001>
#map = affine_map<(d0, d1) -> (0)>
module attributes {stable_mosaic.version = 14 : i64} {
  func.func @_dispatch_tail_body(%arg0: i32, %arg1: i32, %arg2: memref<262144xi32, #tpu.memory_space<hbm>>, %arg3: memref<262144xi32, #tpu.memory_space<hbm>>, %arg4: memref<262144xi32, #tpu.memory_space<hbm>>, %arg5: memref<528384xi32, #tpu.memory_space<hbm>>, %arg6: memref<1056768xi32, #tpu.memory_space<hbm>>, %arg7: memref<256xi32, #tpu.memory_space<vmem>>, %arg8: memref<256xi32, #tpu.memory_space<vmem>>, %arg9: memref<256xi32, #tpu.memory_space<vmem>>, %arg10: memref<528384xi32, #tpu.memory_space<vmem_shared>>) attributes {dimension_semantics = [#tpu.dimension_semantics<core_parallel>, #tpu.dimension_semantics<subcore_parallel>], iteration_bounds = array<i64: 2, 16>, scalar_prefetch = 0 : i64, scratch_operands = 4 : i64, tpu.core_type = #tpu.core_type<sc_vector_subcore>, window_params = [{transform_indices = #map}, {transform_indices = #map}, {transform_indices = #map}, {transform_indices = #map}, {transform_indices = #map}]} {
    %mul3A = arith.constant 2 : i32
    %mul3A_0 = arith.muli %arg1, %mul3A : i32
    %add3A = arith.addi %mul3A_0, %arg0 : i32
    %mul3A_1 = arith.constant 33024 : i32
    %mul3A_2 = arith.muli %arg1, %mul3A_1 : i32
    %mul3A_3 = arith.constant 33024 : i32
    %mul3A_4 = arith.muli %arg1, %mul3A_3 : i32
    "tpu.region"() ({
      %run_scoped3A = tpu.sem_alloc : memref<!tpu.dma_semaphore, #tpu.memory_space<semaphore_mem>>
      %dma_start3A = tpu.memref_slice %arg10[%mul3A_4] : memref<528384xi32, #tpu.memory_space<vmem_shared>> -> memref<33024xi32, #tpu.memory_space<vmem_shared>>
      %dma_start3A_20 = tpu.memref_slice %arg5[%mul3A_2] : memref<528384xi32, #tpu.memory_space<hbm>> -> memref<33024xi32, #tpu.memory_space<hbm>>
      tpu.enqueue_dma source(%dma_start3A_20 : memref<33024xi32, #tpu.memory_space<hbm>>) target(%dma_start3A : memref<33024xi32, #tpu.memory_space<vmem_shared>>) target_semaphore(%run_scoped3A : memref<!tpu.dma_semaphore, #tpu.memory_space<semaphore_mem>>)
      %dma_wait3A = tpu.memref_slice %arg10[%mul3A_4] : memref<528384xi32, #tpu.memory_space<vmem_shared>> -> memref<33024xi32, #tpu.memory_space<vmem_shared>>
      %dma_wait3A_21 = tpu.memref_slice %arg5[%mul3A_2] : memref<528384xi32, #tpu.memory_space<hbm>> -> memref<33024xi32, #tpu.memory_space<hbm>>
      tpu.wait_dma2 semaphore(%run_scoped3A : memref<!tpu.dma_semaphore, #tpu.memory_space<semaphore_mem>>) src(%dma_wait3A_21 : memref<33024xi32, #tpu.memory_space<hbm>>) dst(%dma_wait3A : memref<33024xi32, #tpu.memory_space<vmem_shared>>)
      tpu.yield
    }) : () -> ()
    %barrier3A = arith.constant 0 : index
    tpu.barrier barrier_id(%barrier3A)
    %mul3A_5 = arith.constant 8192 : i32
    %mul3A_6 = arith.muli %add3A, %mul3A_5 : i32
    %scan3A = arith.constant 0 : i32
    %scan3A_7 = arith.constant 0 : i32
    %scan3A_8 = arith.constant 32 : i32
    %scan3A_9 = arith.addi %scan3A_7, %scan3A_8 : i32
    %scan3A_10 = arith.constant 1 : i32
    scf.for %scan3A_20 = %scan3A_7 to %scan3A_9 step %scan3A_10  : i32 {
      %mul3A_21 = arith.constant 256 : i32
      %mul3A_22 = arith.muli %scan3A_20, %mul3A_21 : i32
      %add3A_23 = arith.addi %mul3A_6, %mul3A_22 : i32
      "tpu.region"() ({
        %run_scoped3A = tpu.sem_alloc : memref<!tpu.dma_semaphore, #tpu.memory_space<semaphore_mem>>
        %dma_start3A = tpu.memref_slice %arg3[%add3A_23] : memref<262144xi32, #tpu.memory_space<hbm>> -> memref<256xi32, #tpu.memory_space<hbm>>
        %dma_start3A_24 = tpu.memref_slice %arg3[%add3A_23] : memref<262144xi32, #tpu.memory_space<hbm>> -> memref<256xi32, #tpu.memory_space<hbm>>
        tpu.enqueue_dma source(%dma_start3A_24 : memref<256xi32, #tpu.memory_space<hbm>>) target(%arg7 : memref<256xi32, #tpu.memory_space<vmem>>) target_semaphore(%run_scoped3A : memref<!tpu.dma_semaphore, #tpu.memory_space<semaphore_mem>>)
        %dma_wait3A = tpu.memref_slice %arg3[%add3A_23] : memref<262144xi32, #tpu.memory_space<hbm>> -> memref<256xi32, #tpu.memory_space<hbm>>
        %dma_wait3A_25 = tpu.memref_slice %arg3[%add3A_23] : memref<262144xi32, #tpu.memory_space<hbm>> -> memref<256xi32, #tpu.memory_space<hbm>>
        tpu.wait_dma2 semaphore(%run_scoped3A : memref<!tpu.dma_semaphore, #tpu.memory_space<semaphore_mem>>) src(%dma_wait3A_25 : memref<256xi32, #tpu.memory_space<hbm>>) dst(%arg7 : memref<256xi32, #tpu.memory_space<vmem>>)
        tpu.yield
      }) : () -> ()
      "tpu.region"() ({
        %run_scoped3A = tpu.sem_alloc : memref<!tpu.dma_semaphore, #tpu.memory_space<semaphore_mem>>
        %dma_start3A = tpu.memref_slice %arg4[%add3A_23] : memref<262144xi32, #tpu.memory_space<hbm>> -> memref<256xi32, #tpu.memory_space<hbm>>
        %dma_start3A_24 = tpu.memref_slice %arg4[%add3A_23] : memref<262144xi32, #tpu.memory_space<hbm>> -> memref<256xi32, #tpu.memory_space<hbm>>
        tpu.enqueue_dma source(%dma_start3A_24 : memref<256xi32, #tpu.memory_space<hbm>>) target(%arg8 : memref<256xi32, #tpu.memory_space<vmem>>) target_semaphore(%run_scoped3A : memref<!tpu.dma_semaphore, #tpu.memory_space<semaphore_mem>>)
        %dma_wait3A = tpu.memref_slice %arg4[%add3A_23] : memref<262144xi32, #tpu.memory_space<hbm>> -> memref<256xi32, #tpu.memory_space<hbm>>
        %dma_wait3A_25 = tpu.memref_slice %arg4[%add3A_23] : memref<262144xi32, #tpu.memory_space<hbm>> -> memref<256xi32, #tpu.memory_space<hbm>>
        tpu.wait_dma2 semaphore(%run_scoped3A : memref<!tpu.dma_semaphore, #tpu.memory_space<semaphore_mem>>) src(%dma_wait3A_25 : memref<256xi32, #tpu.memory_space<hbm>>) dst(%arg8 : memref<256xi32, #tpu.memory_space<vmem>>)
        tpu.yield
      }) : () -> ()
      "tpu.region"() ({
        %run_scoped3A = tpu.sem_alloc : memref<!tpu.dma_semaphore, #tpu.memory_space<semaphore_mem>>
        %dma_start3A = tpu.memref_slice %arg2[%add3A_23] : memref<262144xi32, #tpu.memory_space<hbm>> -> memref<256xi32, #tpu.memory_space<hbm>>
        %dma_start3A_24 = tpu.memref_slice %arg2[%add3A_23] : memref<262144xi32, #tpu.memory_space<hbm>> -> memref<256xi32, #tpu.memory_space<hbm>>
        tpu.enqueue_dma source(%dma_start3A_24 : memref<256xi32, #tpu.memory_space<hbm>>) target(%arg9 : memref<256xi32, #tpu.memory_space<vmem>>) target_semaphore(%run_scoped3A : memref<!tpu.dma_semaphore, #tpu.memory_space<semaphore_mem>>)
        %dma_wait3A = tpu.memref_slice %arg2[%add3A_23] : memref<262144xi32, #tpu.memory_space<hbm>> -> memref<256xi32, #tpu.memory_space<hbm>>
        %dma_wait3A_25 = tpu.memref_slice %arg2[%add3A_23] : memref<262144xi32, #tpu.memory_space<hbm>> -> memref<256xi32, #tpu.memory_space<hbm>>
        tpu.wait_dma2 semaphore(%run_scoped3A : memref<!tpu.dma_semaphore, #tpu.memory_space<semaphore_mem>>) src(%dma_wait3A_25 : memref<256xi32, #tpu.memory_space<hbm>>) dst(%arg9 : memref<256xi32, #tpu.memory_space<vmem>>)
        tpu.yield
      }) : () -> ()
      "tpu.region"() ({
        %run_scoped3A = tpu.sem_alloc : memref<!tpu.dma_semaphore, #tpu.memory_space<semaphore_mem>>
        %dma_start3A = arith.constant 0 : i32
        %dma_start3A_24 = tpu.memref_slice %arg10[%dma_start3A] : memref<528384xi32, #tpu.memory_space<vmem_shared>> -> memref<528384xi32, #tpu.memory_space<vmem_shared>>
        tpu.enqueue_indirect_dma source(%arg9 : memref<256xi32, #tpu.memory_space<vmem>>) target(%dma_start3A_24 : memref<528384xi32, #tpu.memory_space<vmem_shared>>) offsets(%arg7 : memref<256xi32, #tpu.memory_space<vmem>>) semaphore(%run_scoped3A : memref<!tpu.dma_semaphore, #tpu.memory_space<semaphore_mem>>)
        %dma_wait3A = arith.constant 0 : i32
        %dma_wait3A_25 = tpu.memref_slice %arg10[%dma_wait3A] : memref<528384xi32, #tpu.memory_space<vmem_shared>> -> memref<528384xi32, #tpu.memory_space<vmem_shared>>
        tpu.wait_indirect_dma semaphore(%run_scoped3A : memref<!tpu.dma_semaphore, #tpu.memory_space<semaphore_mem>>) src(%arg9 : memref<256xi32, #tpu.memory_space<vmem>>) dst(%dma_wait3A_25 : memref<528384xi32, #tpu.memory_space<vmem_shared>>)
        tpu.yield
      }) : () -> ()
      "tpu.region"() ({
        %run_scoped3A = tpu.sem_alloc : memref<!tpu.dma_semaphore, #tpu.memory_space<semaphore_mem>>
        %dma_start3A = arith.constant 0 : i32
        %dma_start3A_24 = tpu.memref_slice %arg10[%dma_start3A] : memref<528384xi32, #tpu.memory_space<vmem_shared>> -> memref<528384xi32, #tpu.memory_space<vmem_shared>>
        tpu.enqueue_indirect_dma source(%arg9 : memref<256xi32, #tpu.memory_space<vmem>>) target(%dma_start3A_24 : memref<528384xi32, #tpu.memory_space<vmem_shared>>) offsets(%arg8 : memref<256xi32, #tpu.memory_space<vmem>>) semaphore(%run_scoped3A : memref<!tpu.dma_semaphore, #tpu.memory_space<semaphore_mem>>)
        %dma_wait3A = arith.constant 0 : i32
        %dma_wait3A_25 = tpu.memref_slice %arg10[%dma_wait3A] : memref<528384xi32, #tpu.memory_space<vmem_shared>> -> memref<528384xi32, #tpu.memory_space<vmem_shared>>
        tpu.wait_indirect_dma semaphore(%run_scoped3A : memref<!tpu.dma_semaphore, #tpu.memory_space<semaphore_mem>>) src(%arg9 : memref<256xi32, #tpu.memory_space<vmem>>) dst(%dma_wait3A_25 : memref<528384xi32, #tpu.memory_space<vmem_shared>>)
        tpu.yield
      }) : () -> ()
    }
    %scan3A_11 = arith.constant 32 : i32
    %barrier3A_12 = arith.constant 0 : index
    tpu.barrier barrier_id(%barrier3A_12)
    %mul3A_13 = arith.constant 33024 : i32
    %mul3A_14 = arith.muli %arg1, %mul3A_13 : i32
    %mul3A_15 = arith.constant 528384 : i32
    %mul3A_16 = arith.muli %arg0, %mul3A_15 : i32
    %mul3A_17 = arith.constant 33024 : i32
    %mul3A_18 = arith.muli %arg1, %mul3A_17 : i32
    %add3A_19 = arith.addi %mul3A_16, %mul3A_18 : i32
    "tpu.region"() ({
      %run_scoped3A = tpu.sem_alloc : memref<!tpu.dma_semaphore, #tpu.memory_space<semaphore_mem>>
      %dma_start3A = tpu.memref_slice %arg6[%add3A_19] : memref<1056768xi32, #tpu.memory_space<hbm>> -> memref<33024xi32, #tpu.memory_space<hbm>>
      %dma_start3A_20 = tpu.memref_slice %arg10[%mul3A_14] : memref<528384xi32, #tpu.memory_space<vmem_shared>> -> memref<33024xi32, #tpu.memory_space<vmem_shared>>
      tpu.enqueue_dma source(%dma_start3A_20 : memref<33024xi32, #tpu.memory_space<vmem_shared>>) target(%dma_start3A : memref<33024xi32, #tpu.memory_space<hbm>>) target_semaphore(%run_scoped3A : memref<!tpu.dma_semaphore, #tpu.memory_space<semaphore_mem>>)
      %dma_wait3A = tpu.memref_slice %arg6[%add3A_19] : memref<1056768xi32, #tpu.memory_space<hbm>> -> memref<33024xi32, #tpu.memory_space<hbm>>
      %dma_wait3A_21 = tpu.memref_slice %arg10[%mul3A_14] : memref<528384xi32, #tpu.memory_space<vmem_shared>> -> memref<33024xi32, #tpu.memory_space<vmem_shared>>
      tpu.wait_dma2 semaphore(%run_scoped3A : memref<!tpu.dma_semaphore, #tpu.memory_space<semaphore_mem>>) src(%dma_wait3A_21 : memref<33024xi32, #tpu.memory_space<vmem_shared>>) dst(%dma_wait3A : memref<33024xi32, #tpu.memory_space<hbm>>)
      tpu.yield
    }) : () -> ()
    return
  }
}

#map = affine_map<(d0, d1) -> (0, 0)>
#map1 = affine_map<(d0, d1) -> (0)>
module attributes {stable_mosaic.version = 14 : i64} {
  func.func @_dispatch_body(%arg0: i32, %arg1: i32, %arg2: memref<262144x256xf32, #tpu.memory_space<hbm>>, %arg3: memref<262144xi32, #tpu.memory_space<hbm>>, %arg4: memref<262144xi32, #tpu.memory_space<hbm>>, %arg5: memref<262144xi32, #tpu.memory_space<hbm>>, %arg6: memref<262144xi32, #tpu.memory_space<hbm>>, %arg7: memref<528384xi32, #tpu.memory_space<hbm>>, %arg8: memref<528384x256xf32, #tpu.memory_space<hbm>>, %arg9: memref<1056768xi32, #tpu.memory_space<hbm>>, %arg10: memref<256x256xf32, #tpu.memory_space<vmem>>, %arg11: memref<256xi32, #tpu.memory_space<vmem>>, %arg12: memref<256xi32, #tpu.memory_space<vmem>>, %arg13: memref<256xi32, #tpu.memory_space<vmem>>, %arg14: memref<256xi32, #tpu.memory_space<vmem>>, %arg15: memref<528384xi32, #tpu.memory_space<vmem_shared>>, %arg16: memref<!tpu.dma_semaphore, #tpu.memory_space<semaphore_mem>>) attributes {dimension_semantics = [#tpu.dimension_semantics<core_parallel>, #tpu.dimension_semantics<subcore_parallel>], iteration_bounds = array<i64: 2, 16>, scalar_prefetch = 0 : i64, scratch_operands = 7 : i64, tpu.core_type = #tpu.core_type<sc_vector_subcore>, window_params = [{transform_indices = #map}, {transform_indices = #map1}, {transform_indices = #map1}, {transform_indices = #map1}, {transform_indices = #map1}, {transform_indices = #map1}, {transform_indices = #map}, {transform_indices = #map1}]} {
    %mul3A = arith.constant 2 : i32
    %mul3A_0 = arith.muli %arg1, %mul3A : i32
    %add3A = arith.addi %mul3A_0, %arg0 : i32
    %mul3A_1 = arith.constant 33024 : i32
    %mul3A_2 = arith.muli %arg1, %mul3A_1 : i32
    %mul3A_3 = arith.constant 33024 : i32
    %mul3A_4 = arith.muli %arg1, %mul3A_3 : i32
    "tpu.region"() ({
      %run_scoped3A = tpu.sem_alloc : memref<!tpu.dma_semaphore, #tpu.memory_space<semaphore_mem>>
      %dma_start3A = tpu.memref_slice %arg15[%mul3A_4] : memref<528384xi32, #tpu.memory_space<vmem_shared>> -> memref<33024xi32, #tpu.memory_space<vmem_shared>>
      %dma_start3A_20 = tpu.memref_slice %arg7[%mul3A_2] : memref<528384xi32, #tpu.memory_space<hbm>> -> memref<33024xi32, #tpu.memory_space<hbm>>
      tpu.enqueue_dma source(%dma_start3A_20 : memref<33024xi32, #tpu.memory_space<hbm>>) target(%dma_start3A : memref<33024xi32, #tpu.memory_space<vmem_shared>>) target_semaphore(%run_scoped3A : memref<!tpu.dma_semaphore, #tpu.memory_space<semaphore_mem>>)
      %dma_wait3A = tpu.memref_slice %arg15[%mul3A_4] : memref<528384xi32, #tpu.memory_space<vmem_shared>> -> memref<33024xi32, #tpu.memory_space<vmem_shared>>
      %dma_wait3A_21 = tpu.memref_slice %arg7[%mul3A_2] : memref<528384xi32, #tpu.memory_space<hbm>> -> memref<33024xi32, #tpu.memory_space<hbm>>
      tpu.wait_dma2 semaphore(%run_scoped3A : memref<!tpu.dma_semaphore, #tpu.memory_space<semaphore_mem>>) src(%dma_wait3A_21 : memref<33024xi32, #tpu.memory_space<hbm>>) dst(%dma_wait3A : memref<33024xi32, #tpu.memory_space<vmem_shared>>)
      tpu.yield
    }) : () -> ()
    %barrier3A = arith.constant 0 : index
    tpu.barrier barrier_id(%barrier3A)
    %mul3A_5 = arith.constant 8192 : i32
    %mul3A_6 = arith.muli %add3A, %mul3A_5 : i32
    %scan3A = arith.constant 0 : i32
    %scan3A_7 = arith.constant 0 : i32
    %scan3A_8 = arith.constant 32 : i32
    %scan3A_9 = arith.addi %scan3A_7, %scan3A_8 : i32
    %scan3A_10 = arith.constant 1 : i32
    scf.for %scan3A_20 = %scan3A_7 to %scan3A_9 step %scan3A_10  : i32 {
      %mul3A_21 = arith.constant 256 : i32
      %mul3A_22 = arith.muli %scan3A_20, %mul3A_21 : i32
      %add3A_23 = arith.addi %mul3A_6, %mul3A_22 : i32
      "tpu.region"() ({
        %run_scoped3A = tpu.sem_alloc : memref<!tpu.dma_semaphore, #tpu.memory_space<semaphore_mem>>
        %dma_start3A_34 = arith.constant 0 : i32
        %dma_start3A_35 = tpu.memref_slice %arg2[%add3A_23, %dma_start3A_34] : memref<262144x256xf32, #tpu.memory_space<hbm>> -> memref<256x256xf32, #tpu.memory_space<hbm>>
        %dma_start3A_36 = arith.constant 0 : i32
        %dma_start3A_37 = tpu.memref_slice %arg2[%add3A_23, %dma_start3A_36] : memref<262144x256xf32, #tpu.memory_space<hbm>> -> memref<256x256xf32, #tpu.memory_space<hbm>>
        tpu.enqueue_dma source(%dma_start3A_37 : memref<256x256xf32, #tpu.memory_space<hbm>>) target(%arg10 : memref<256x256xf32, #tpu.memory_space<vmem>>) target_semaphore(%run_scoped3A : memref<!tpu.dma_semaphore, #tpu.memory_space<semaphore_mem>>)
        %dma_wait3A_38 = arith.constant 0 : i32
        %dma_wait3A_39 = tpu.memref_slice %arg2[%add3A_23, %dma_wait3A_38] : memref<262144x256xf32, #tpu.memory_space<hbm>> -> memref<256x256xf32, #tpu.memory_space<hbm>>
        %dma_wait3A_40 = arith.constant 0 : i32
        %dma_wait3A_41 = tpu.memref_slice %arg2[%add3A_23, %dma_wait3A_40] : memref<262144x256xf32, #tpu.memory_space<hbm>> -> memref<256x256xf32, #tpu.memory_space<hbm>>
        tpu.wait_dma2 semaphore(%run_scoped3A : memref<!tpu.dma_semaphore, #tpu.memory_space<semaphore_mem>>) src(%dma_wait3A_41 : memref<256x256xf32, #tpu.memory_space<hbm>>) dst(%arg10 : memref<256x256xf32, #tpu.memory_space<vmem>>)
        tpu.yield
      }) : () -> ()
      "tpu.region"() ({
        %run_scoped3A = tpu.sem_alloc : memref<!tpu.dma_semaphore, #tpu.memory_space<semaphore_mem>>
        %dma_start3A_34 = tpu.memref_slice %arg5[%add3A_23] : memref<262144xi32, #tpu.memory_space<hbm>> -> memref<256xi32, #tpu.memory_space<hbm>>
        %dma_start3A_35 = tpu.memref_slice %arg5[%add3A_23] : memref<262144xi32, #tpu.memory_space<hbm>> -> memref<256xi32, #tpu.memory_space<hbm>>
        tpu.enqueue_dma source(%dma_start3A_35 : memref<256xi32, #tpu.memory_space<hbm>>) target(%arg11 : memref<256xi32, #tpu.memory_space<vmem>>) target_semaphore(%run_scoped3A : memref<!tpu.dma_semaphore, #tpu.memory_space<semaphore_mem>>)
        %dma_wait3A_36 = tpu.memref_slice %arg5[%add3A_23] : memref<262144xi32, #tpu.memory_space<hbm>> -> memref<256xi32, #tpu.memory_space<hbm>>
        %dma_wait3A_37 = tpu.memref_slice %arg5[%add3A_23] : memref<262144xi32, #tpu.memory_space<hbm>> -> memref<256xi32, #tpu.memory_space<hbm>>
        tpu.wait_dma2 semaphore(%run_scoped3A : memref<!tpu.dma_semaphore, #tpu.memory_space<semaphore_mem>>) src(%dma_wait3A_37 : memref<256xi32, #tpu.memory_space<hbm>>) dst(%arg11 : memref<256xi32, #tpu.memory_space<vmem>>)
        tpu.yield
      }) : () -> ()
      "tpu.region"() ({
        %run_scoped3A = tpu.sem_alloc : memref<!tpu.dma_semaphore, #tpu.memory_space<semaphore_mem>>
        %dma_start3A_34 = tpu.memref_slice %arg6[%add3A_23] : memref<262144xi32, #tpu.memory_space<hbm>> -> memref<256xi32, #tpu.memory_space<hbm>>
        %dma_start3A_35 = tpu.memref_slice %arg6[%add3A_23] : memref<262144xi32, #tpu.memory_space<hbm>> -> memref<256xi32, #tpu.memory_space<hbm>>
        tpu.enqueue_dma source(%dma_start3A_35 : memref<256xi32, #tpu.memory_space<hbm>>) target(%arg12 : memref<256xi32, #tpu.memory_space<vmem>>) target_semaphore(%run_scoped3A : memref<!tpu.dma_semaphore, #tpu.memory_space<semaphore_mem>>)
        %dma_wait3A_36 = tpu.memref_slice %arg6[%add3A_23] : memref<262144xi32, #tpu.memory_space<hbm>> -> memref<256xi32, #tpu.memory_space<hbm>>
        %dma_wait3A_37 = tpu.memref_slice %arg6[%add3A_23] : memref<262144xi32, #tpu.memory_space<hbm>> -> memref<256xi32, #tpu.memory_space<hbm>>
        tpu.wait_dma2 semaphore(%run_scoped3A : memref<!tpu.dma_semaphore, #tpu.memory_space<semaphore_mem>>) src(%dma_wait3A_37 : memref<256xi32, #tpu.memory_space<hbm>>) dst(%arg12 : memref<256xi32, #tpu.memory_space<vmem>>)
        tpu.yield
      }) : () -> ()
      "tpu.region"() ({
        %run_scoped3A = tpu.sem_alloc : memref<!tpu.dma_semaphore, #tpu.memory_space<semaphore_mem>>
        %dma_start3A_34 = tpu.memref_slice %arg3[%add3A_23] : memref<262144xi32, #tpu.memory_space<hbm>> -> memref<256xi32, #tpu.memory_space<hbm>>
        %dma_start3A_35 = tpu.memref_slice %arg3[%add3A_23] : memref<262144xi32, #tpu.memory_space<hbm>> -> memref<256xi32, #tpu.memory_space<hbm>>
        tpu.enqueue_dma source(%dma_start3A_35 : memref<256xi32, #tpu.memory_space<hbm>>) target(%arg13 : memref<256xi32, #tpu.memory_space<vmem>>) target_semaphore(%run_scoped3A : memref<!tpu.dma_semaphore, #tpu.memory_space<semaphore_mem>>)
        %dma_wait3A_36 = tpu.memref_slice %arg3[%add3A_23] : memref<262144xi32, #tpu.memory_space<hbm>> -> memref<256xi32, #tpu.memory_space<hbm>>
        %dma_wait3A_37 = tpu.memref_slice %arg3[%add3A_23] : memref<262144xi32, #tpu.memory_space<hbm>> -> memref<256xi32, #tpu.memory_space<hbm>>
        tpu.wait_dma2 semaphore(%run_scoped3A : memref<!tpu.dma_semaphore, #tpu.memory_space<semaphore_mem>>) src(%dma_wait3A_37 : memref<256xi32, #tpu.memory_space<hbm>>) dst(%arg13 : memref<256xi32, #tpu.memory_space<vmem>>)
        tpu.yield
      }) : () -> ()
      "tpu.region"() ({
        %run_scoped3A = tpu.sem_alloc : memref<!tpu.dma_semaphore, #tpu.memory_space<semaphore_mem>>
        %dma_start3A_34 = tpu.memref_slice %arg4[%add3A_23] : memref<262144xi32, #tpu.memory_space<hbm>> -> memref<256xi32, #tpu.memory_space<hbm>>
        %dma_start3A_35 = tpu.memref_slice %arg4[%add3A_23] : memref<262144xi32, #tpu.memory_space<hbm>> -> memref<256xi32, #tpu.memory_space<hbm>>
        tpu.enqueue_dma source(%dma_start3A_35 : memref<256xi32, #tpu.memory_space<hbm>>) target(%arg14 : memref<256xi32, #tpu.memory_space<vmem>>) target_semaphore(%run_scoped3A : memref<!tpu.dma_semaphore, #tpu.memory_space<semaphore_mem>>)
        %dma_wait3A_36 = tpu.memref_slice %arg4[%add3A_23] : memref<262144xi32, #tpu.memory_space<hbm>> -> memref<256xi32, #tpu.memory_space<hbm>>
        %dma_wait3A_37 = tpu.memref_slice %arg4[%add3A_23] : memref<262144xi32, #tpu.memory_space<hbm>> -> memref<256xi32, #tpu.memory_space<hbm>>
        tpu.wait_dma2 semaphore(%run_scoped3A : memref<!tpu.dma_semaphore, #tpu.memory_space<semaphore_mem>>) src(%dma_wait3A_37 : memref<256xi32, #tpu.memory_space<hbm>>) dst(%arg14 : memref<256xi32, #tpu.memory_space<vmem>>)
        tpu.yield
      }) : () -> ()
      %dma_start3A = arith.constant 0 : i32
      %dma_start3A_24 = arith.constant 0 : i32
      %dma_start3A_25 = tpu.memref_slice %arg8[%dma_start3A, %dma_start3A_24] : memref<528384x256xf32, #tpu.memory_space<hbm>> -> memref<528384x256xf32, #tpu.memory_space<hbm>>
      tpu.enqueue_indirect_dma source(%arg10 : memref<256x256xf32, #tpu.memory_space<vmem>>) target(%dma_start3A_25 : memref<528384x256xf32, #tpu.memory_space<hbm>>) offsets(%arg11 : memref<256xi32, #tpu.memory_space<vmem>>) semaphore(%arg16 : memref<!tpu.dma_semaphore, #tpu.memory_space<semaphore_mem>>)
      %dma_wait3A = arith.constant 0 : i32
      %dma_wait3A_26 = arith.constant 0 : i32
      %dma_wait3A_27 = tpu.memref_slice %arg8[%dma_wait3A, %dma_wait3A_26] : memref<528384x256xf32, #tpu.memory_space<hbm>> -> memref<528384x256xf32, #tpu.memory_space<hbm>>
      tpu.wait_indirect_dma semaphore(%arg16 : memref<!tpu.dma_semaphore, #tpu.memory_space<semaphore_mem>>) src(%arg10 : memref<256x256xf32, #tpu.memory_space<vmem>>) dst(%dma_wait3A_27 : memref<528384x256xf32, #tpu.memory_space<hbm>>)
      %dma_start3A_28 = arith.constant 0 : i32
      %dma_start3A_29 = arith.constant 0 : i32
      %dma_start3A_30 = tpu.memref_slice %arg8[%dma_start3A_28, %dma_start3A_29] : memref<528384x256xf32, #tpu.memory_space<hbm>> -> memref<528384x256xf32, #tpu.memory_space<hbm>>
      tpu.enqueue_indirect_dma source(%arg10 : memref<256x256xf32, #tpu.memory_space<vmem>>) target(%dma_start3A_30 : memref<528384x256xf32, #tpu.memory_space<hbm>>) offsets(%arg12 : memref<256xi32, #tpu.memory_space<vmem>>) semaphore(%arg16 : memref<!tpu.dma_semaphore, #tpu.memory_space<semaphore_mem>>)
      %dma_wait3A_31 = arith.constant 0 : i32
      %dma_wait3A_32 = arith.constant 0 : i32
      %dma_wait3A_33 = tpu.memref_slice %arg8[%dma_wait3A_31, %dma_wait3A_32] : memref<528384x256xf32, #tpu.memory_space<hbm>> -> memref<528384x256xf32, #tpu.memory_space<hbm>>
      tpu.wait_indirect_dma semaphore(%arg16 : memref<!tpu.dma_semaphore, #tpu.memory_space<semaphore_mem>>) src(%arg10 : memref<256x256xf32, #tpu.memory_space<vmem>>) dst(%dma_wait3A_33 : memref<528384x256xf32, #tpu.memory_space<hbm>>)
      "tpu.region"() ({
        %run_scoped3A = tpu.sem_alloc : memref<!tpu.dma_semaphore, #tpu.memory_space<semaphore_mem>>
        %dma_start3A_34 = arith.constant 0 : i32
        %dma_start3A_35 = tpu.memref_slice %arg15[%dma_start3A_34] : memref<528384xi32, #tpu.memory_space<vmem_shared>> -> memref<528384xi32, #tpu.memory_space<vmem_shared>>
        tpu.enqueue_indirect_dma source(%arg13 : memref<256xi32, #tpu.memory_space<vmem>>) target(%dma_start3A_35 : memref<528384xi32, #tpu.memory_space<vmem_shared>>) offsets(%arg11 : memref<256xi32, #tpu.memory_space<vmem>>) semaphore(%run_scoped3A : memref<!tpu.dma_semaphore, #tpu.memory_space<semaphore_mem>>)
        %dma_wait3A_36 = arith.constant 0 : i32
        %dma_wait3A_37 = tpu.memref_slice %arg15[%dma_wait3A_36] : memref<528384xi32, #tpu.memory_space<vmem_shared>> -> memref<528384xi32, #tpu.memory_space<vmem_shared>>
        tpu.wait_indirect_dma semaphore(%run_scoped3A : memref<!tpu.dma_semaphore, #tpu.memory_space<semaphore_mem>>) src(%arg13 : memref<256xi32, #tpu.memory_space<vmem>>) dst(%dma_wait3A_37 : memref<528384xi32, #tpu.memory_space<vmem_shared>>)
        tpu.yield
      }) : () -> ()
      "tpu.region"() ({
        %run_scoped3A = tpu.sem_alloc : memref<!tpu.dma_semaphore, #tpu.memory_space<semaphore_mem>>
        %dma_start3A_34 = arith.constant 0 : i32
        %dma_start3A_35 = tpu.memref_slice %arg15[%dma_start3A_34] : memref<528384xi32, #tpu.memory_space<vmem_shared>> -> memref<528384xi32, #tpu.memory_space<vmem_shared>>
        tpu.enqueue_indirect_dma source(%arg14 : memref<256xi32, #tpu.memory_space<vmem>>) target(%dma_start3A_35 : memref<528384xi32, #tpu.memory_space<vmem_shared>>) offsets(%arg12 : memref<256xi32, #tpu.memory_space<vmem>>) semaphore(%run_scoped3A : memref<!tpu.dma_semaphore, #tpu.memory_space<semaphore_mem>>)
        %dma_wait3A_36 = arith.constant 0 : i32
        %dma_wait3A_37 = tpu.memref_slice %arg15[%dma_wait3A_36] : memref<528384xi32, #tpu.memory_space<vmem_shared>> -> memref<528384xi32, #tpu.memory_space<vmem_shared>>
        tpu.wait_indirect_dma semaphore(%run_scoped3A : memref<!tpu.dma_semaphore, #tpu.memory_space<semaphore_mem>>) src(%arg14 : memref<256xi32, #tpu.memory_space<vmem>>) dst(%dma_wait3A_37 : memref<528384xi32, #tpu.memory_space<vmem_shared>>)
        tpu.yield
      }) : () -> ()
    }
    %scan3A_11 = arith.constant 32 : i32
    %barrier3A_12 = arith.constant 0 : index
    tpu.barrier barrier_id(%barrier3A_12)
    %mul3A_13 = arith.constant 33024 : i32
    %mul3A_14 = arith.muli %arg1, %mul3A_13 : i32
    %mul3A_15 = arith.constant 528384 : i32
    %mul3A_16 = arith.muli %arg0, %mul3A_15 : i32
    %mul3A_17 = arith.constant 33024 : i32
    %mul3A_18 = arith.muli %arg1, %mul3A_17 : i32
    %add3A_19 = arith.addi %mul3A_16, %mul3A_18 : i32
    "tpu.region"() ({
      %run_scoped3A = tpu.sem_alloc : memref<!tpu.dma_semaphore, #tpu.memory_space<semaphore_mem>>
      %dma_start3A = tpu.memref_slice %arg9[%add3A_19] : memref<1056768xi32, #tpu.memory_space<hbm>> -> memref<33024xi32, #tpu.memory_space<hbm>>
      %dma_start3A_20 = tpu.memref_slice %arg15[%mul3A_14] : memref<528384xi32, #tpu.memory_space<vmem_shared>> -> memref<33024xi32, #tpu.memory_space<vmem_shared>>
      tpu.enqueue_dma source(%dma_start3A_20 : memref<33024xi32, #tpu.memory_space<vmem_shared>>) target(%dma_start3A : memref<33024xi32, #tpu.memory_space<hbm>>) target_semaphore(%run_scoped3A : memref<!tpu.dma_semaphore, #tpu.memory_space<semaphore_mem>>)
      %dma_wait3A = tpu.memref_slice %arg9[%add3A_19] : memref<1056768xi32, #tpu.memory_space<hbm>> -> memref<33024xi32, #tpu.memory_space<hbm>>
      %dma_wait3A_21 = tpu.memref_slice %arg15[%mul3A_14] : memref<528384xi32, #tpu.memory_space<vmem_shared>> -> memref<33024xi32, #tpu.memory_space<vmem_shared>>
      tpu.wait_dma2 semaphore(%run_scoped3A : memref<!tpu.dma_semaphore, #tpu.memory_space<semaphore_mem>>) src(%dma_wait3A_21 : memref<33024xi32, #tpu.memory_space<vmem_shared>>) dst(%dma_wait3A : memref<33024xi32, #tpu.memory_space<hbm>>)
      tpu.yield
    }) : () -> ()
    return
  }
}

#map = affine_map<(d0, d1) -> (0)>
module attributes {stable_mosaic.version = 14 : i64} {
  func.func @_combine_body(%arg0: i32, %arg1: i32, %arg2: memref<4227072xf32, #tpu.memory_space<hbm>>, %arg3: memref<1056768xi32, #tpu.memory_space<hbm>>, %arg4: memref<657408xf32, #tpu.memory_space<hbm>>, %arg5: memref<1314816xf32, #tpu.memory_space<hbm>>, %arg6: memref<5504xi32, #tpu.memory_space<vmem>>, %arg7: memref<5504xi32, #tpu.memory_space<vmem>>, %arg8: memref<5504xi32, #tpu.memory_space<vmem>>, %arg9: memref<5504xi32, #tpu.memory_space<vmem>>, %arg10: memref<5504xf32, #tpu.memory_space<vmem>>, %arg11: memref<657408xf32, #tpu.memory_space<vmem_shared>>) attributes {dimension_semantics = [#tpu.dimension_semantics<core_parallel>, #tpu.dimension_semantics<subcore_parallel>], iteration_bounds = array<i64: 2, 16>, scalar_prefetch = 0 : i64, scratch_operands = 6 : i64, tpu.core_type = #tpu.core_type<sc_vector_subcore>, window_params = [{transform_indices = #map}, {transform_indices = #map}, {transform_indices = #map}, {transform_indices = #map}]} {
    %mul3A = arith.constant 41088 : i32
    %mul3A_0 = arith.muli %arg1, %mul3A : i32
    %mul3A_1 = arith.constant 41088 : i32
    %mul3A_2 = arith.muli %arg1, %mul3A_1 : i32
    "tpu.region"() ({
      %run_scoped3A = tpu.sem_alloc : memref<!tpu.dma_semaphore, #tpu.memory_space<semaphore_mem>>
      %dma_start3A = tpu.memref_slice %arg11[%mul3A_2] : memref<657408xf32, #tpu.memory_space<vmem_shared>> -> memref<41088xf32, #tpu.memory_space<vmem_shared>>
      %dma_start3A_19 = tpu.memref_slice %arg4[%mul3A_0] : memref<657408xf32, #tpu.memory_space<hbm>> -> memref<41088xf32, #tpu.memory_space<hbm>>
      tpu.enqueue_dma source(%dma_start3A_19 : memref<41088xf32, #tpu.memory_space<hbm>>) target(%dma_start3A : memref<41088xf32, #tpu.memory_space<vmem_shared>>) target_semaphore(%run_scoped3A : memref<!tpu.dma_semaphore, #tpu.memory_space<semaphore_mem>>)
      %dma_wait3A = tpu.memref_slice %arg11[%mul3A_2] : memref<657408xf32, #tpu.memory_space<vmem_shared>> -> memref<41088xf32, #tpu.memory_space<vmem_shared>>
      %dma_wait3A_20 = tpu.memref_slice %arg4[%mul3A_0] : memref<657408xf32, #tpu.memory_space<hbm>> -> memref<41088xf32, #tpu.memory_space<hbm>>
      tpu.wait_dma2 semaphore(%run_scoped3A : memref<!tpu.dma_semaphore, #tpu.memory_space<semaphore_mem>>) src(%dma_wait3A_20 : memref<41088xf32, #tpu.memory_space<hbm>>) dst(%dma_wait3A : memref<41088xf32, #tpu.memory_space<vmem_shared>>)
      tpu.yield
    }) : () -> ()
    %barrier3A = arith.constant 0 : index
    tpu.barrier barrier_id(%barrier3A)
    %mul3A_3 = arith.constant 33024 : i32
    %mul3A_4 = arith.muli %arg1, %mul3A_3 : i32
    %mul3A_5 = arith.constant 655360 : i32
    %mul3A_6 = arith.muli %arg0, %mul3A_5 : i32
    %scan3A = arith.constant 0 : i32
    %scan3A_7 = arith.constant 0 : i32
    %scan3A_8 = arith.constant 6 : i32
    %scan3A_9 = arith.addi %scan3A_7, %scan3A_8 : i32
    %scan3A_10 = arith.constant 1 : i32
    scf.for %scan3A_19 = %scan3A_7 to %scan3A_9 step %scan3A_10  : i32 {
      %mul3A_20 = arith.constant 5504 : i32
      %mul3A_21 = arith.muli %scan3A_19, %mul3A_20 : i32
      %add3A_22 = arith.addi %mul3A_4, %mul3A_21 : i32
      "tpu.region"() ({
        %run_scoped3A = tpu.sem_alloc : memref<!tpu.dma_semaphore, #tpu.memory_space<semaphore_mem>>
        %dma_start3A = tpu.memref_slice %arg3[%add3A_22] : memref<1056768xi32, #tpu.memory_space<hbm>> -> memref<5504xi32, #tpu.memory_space<hbm>>
        %dma_start3A_71 = tpu.memref_slice %arg3[%add3A_22] : memref<1056768xi32, #tpu.memory_space<hbm>> -> memref<5504xi32, #tpu.memory_space<hbm>>
        tpu.enqueue_dma source(%dma_start3A_71 : memref<5504xi32, #tpu.memory_space<hbm>>) target(%arg6 : memref<5504xi32, #tpu.memory_space<vmem>>) target_semaphore(%run_scoped3A : memref<!tpu.dma_semaphore, #tpu.memory_space<semaphore_mem>>)
        %dma_wait3A = tpu.memref_slice %arg3[%add3A_22] : memref<1056768xi32, #tpu.memory_space<hbm>> -> memref<5504xi32, #tpu.memory_space<hbm>>
        %dma_wait3A_72 = tpu.memref_slice %arg3[%add3A_22] : memref<1056768xi32, #tpu.memory_space<hbm>> -> memref<5504xi32, #tpu.memory_space<hbm>>
        tpu.wait_dma2 semaphore(%run_scoped3A : memref<!tpu.dma_semaphore, #tpu.memory_space<semaphore_mem>>) src(%dma_wait3A_72 : memref<5504xi32, #tpu.memory_space<hbm>>) dst(%arg6 : memref<5504xi32, #tpu.memory_space<vmem>>)
        tpu.yield
      }) : () -> ()
      %add3A_23 = arith.constant 528384 : i32
      %add3A_24 = arith.addi %add3A_23, %add3A_22 : i32
      "tpu.region"() ({
        %run_scoped3A = tpu.sem_alloc : memref<!tpu.dma_semaphore, #tpu.memory_space<semaphore_mem>>
        %dma_start3A = tpu.memref_slice %arg3[%add3A_24] : memref<1056768xi32, #tpu.memory_space<hbm>> -> memref<5504xi32, #tpu.memory_space<hbm>>
        %dma_start3A_71 = tpu.memref_slice %arg3[%add3A_24] : memref<1056768xi32, #tpu.memory_space<hbm>> -> memref<5504xi32, #tpu.memory_space<hbm>>
        tpu.enqueue_dma source(%dma_start3A_71 : memref<5504xi32, #tpu.memory_space<hbm>>) target(%arg7 : memref<5504xi32, #tpu.memory_space<vmem>>) target_semaphore(%run_scoped3A : memref<!tpu.dma_semaphore, #tpu.memory_space<semaphore_mem>>)
        %dma_wait3A = tpu.memref_slice %arg3[%add3A_24] : memref<1056768xi32, #tpu.memory_space<hbm>> -> memref<5504xi32, #tpu.memory_space<hbm>>
        %dma_wait3A_72 = tpu.memref_slice %arg3[%add3A_24] : memref<1056768xi32, #tpu.memory_space<hbm>> -> memref<5504xi32, #tpu.memory_space<hbm>>
        tpu.wait_dma2 semaphore(%run_scoped3A : memref<!tpu.dma_semaphore, #tpu.memory_space<semaphore_mem>>) src(%dma_wait3A_72 : memref<5504xi32, #tpu.memory_space<hbm>>) dst(%arg7 : memref<5504xi32, #tpu.memory_space<vmem>>)
        tpu.yield
      }) : () -> ()
      %scan3A_25 = arith.constant 0 : i32
      %scan3A_26 = arith.constant 0 : i32
      %scan3A_27 = arith.constant 344 : i32
      %scan3A_28 = arith.addi %scan3A_26, %scan3A_27 : i32
      %scan3A_29 = arith.constant 1 : i32
      scf.for %scan3A_71 = %scan3A_26 to %scan3A_28 step %scan3A_29  : i32 {
        %mul3A_72 = arith.constant 16 : i32
        %mul3A_73 = arith.muli %scan3A_71, %mul3A_72 : i32
        %get3A = arith.index_cast %mul3A_73 : i32 to index
        %get3A_74 = tpu.vector_load %arg6[%get3A] {strides = array<i32>} : memref<5504xi32, #tpu.memory_space<vmem>>, vector<16xi32>,
        %get3A_75 = vector.shape_cast %get3A_74 : vector<16xi32> to vector<16xi32>
        %get3A_76 = arith.index_cast %mul3A_73 : i32 to index
        %get3A_77 = tpu.vector_load %arg7[%get3A_76] {strides = array<i32>} : memref<5504xi32, #tpu.memory_space<vmem>>, vector<16xi32>,
        %get3A_78 = vector.shape_cast %get3A_77 : vector<16xi32> to vector<16xi32>
        %min3A = arith.minsi %get3A_75, %get3A_78 : vector<16xi32>
        %shift_right_arithmetic3A = arith.constant 12 : i32
        %shift_right_arithmetic3A_79 = vector.broadcast %shift_right_arithmetic3A : i32 to vector<16xi32>
        %shift_right_arithmetic3A_80 = arith.shrsi %min3A, %shift_right_arithmetic3A_79 : vector<16xi32>
        %mul3A_81 = arith.constant 5 : i32
        %mul3A_82 = vector.broadcast %mul3A_81 : i32 to vector<16xi32>
        %mul3A_83 = arith.muli %shift_right_arithmetic3A_80, %mul3A_82 : vector<16xi32>
        %sub3A = vector.broadcast %mul3A_6 : i32 to vector<16xi32>
        %sub3A_84 = arith.subi %mul3A_83, %sub3A : vector<16xi32>
        %ge3A = arith.constant 0 : i32
        %ge3A_85 = vector.broadcast %ge3A : i32 to vector<16xi32>
        %ge3A_86 = arith.cmpi sge, %sub3A_84, %ge3A_85 : vector<16xi32>
        %lt3A = arith.constant 655360 : i32
        %lt3A_87 = vector.broadcast %lt3A : i32 to vector<16xi32>
        %lt3A_88 = arith.cmpi slt, %sub3A_84, %lt3A_87 : vector<16xi32>
        %and3A = arith.andi %ge3A_86, %lt3A_88 : vector<16xi1>
        %jit3A = arith.constant 655360 : i32
        %broadcast_in_dim3A = vector.broadcast %jit3A : i32 to vector<16xi32>
        %select_n3A = arith.select %and3A, %sub3A_84, %broadcast_in_dim3A : vector<16xi1>, vector<16xi32>
        %swap3A = arith.index_cast %mul3A_73 : i32 to index
        %swap3A_89 = tpu.vector_load %arg8[%swap3A] {strides = array<i32>} : memref<5504xi32, #tpu.memory_space<vmem>>, vector<16xi32>,
        %swap3A_90 = vector.shape_cast %swap3A_89 : vector<16xi32> to vector<16xi32>
        %swap3A_91 = vector.shape_cast %select_n3A : vector<16xi32> to vector<16xi32>
        tpu.vector_store %arg8[%swap3A], %swap3A_91 {strides = array<i32>} : memref<5504xi32, #tpu.memory_space<vmem>>, vector<16xi32>,
      }
      %scan3A_30 = arith.constant 344 : i32
      %add3A_31 = arith.constant 0 : i32
      %add3A_32 = arith.addi %add3A_31, %add3A_22 : i32
      "tpu.region"() ({
        %run_scoped3A = tpu.sem_alloc : memref<!tpu.dma_semaphore, #tpu.memory_space<semaphore_mem>>
        %dma_start3A = tpu.memref_slice %arg2[%add3A_32] : memref<4227072xf32, #tpu.memory_space<hbm>> -> memref<5504xf32, #tpu.memory_space<hbm>>
        %dma_start3A_71 = tpu.memref_slice %arg2[%add3A_32] : memref<4227072xf32, #tpu.memory_space<hbm>> -> memref<5504xf32, #tpu.memory_space<hbm>>
        tpu.enqueue_dma source(%dma_start3A_71 : memref<5504xf32, #tpu.memory_space<hbm>>) target(%arg10 : memref<5504xf32, #tpu.memory_space<vmem>>) target_semaphore(%run_scoped3A : memref<!tpu.dma_semaphore, #tpu.memory_space<semaphore_mem>>)
        %dma_wait3A = tpu.memref_slice %arg2[%add3A_32] : memref<4227072xf32, #tpu.memory_space<hbm>> -> memref<5504xf32, #tpu.memory_space<hbm>>
        %dma_wait3A_72 = tpu.memref_slice %arg2[%add3A_32] : memref<4227072xf32, #tpu.memory_space<hbm>> -> memref<5504xf32, #tpu.memory_space<hbm>>
        tpu.wait_dma2 semaphore(%run_scoped3A : memref<!tpu.dma_semaphore, #tpu.memory_space<semaphore_mem>>) src(%dma_wait3A_72 : memref<5504xf32, #tpu.memory_space<hbm>>) dst(%arg10 : memref<5504xf32, #tpu.memory_space<vmem>>)
        tpu.yield
      }) : () -> ()
      %scan3A_33 = arith.constant 0 : i32
      %scan3A_34 = arith.constant 0 : i32
      %scan3A_35 = arith.constant 344 : i32
      %scan3A_36 = arith.addi %scan3A_34, %scan3A_35 : i32
      %scan3A_37 = arith.constant 1 : i32
      scf.for %scan3A_71 = %scan3A_34 to %scan3A_36 step %scan3A_37  : i32 {
        %mul3A_72 = arith.constant 16 : i32
        %mul3A_73 = arith.muli %scan3A_71, %mul3A_72 : i32
        %get3A = arith.index_cast %mul3A_73 : i32 to index
        %get3A_74 = tpu.vector_load %arg8[%get3A] {strides = array<i32>} : memref<5504xi32, #tpu.memory_space<vmem>>, vector<16xi32>,
        %get3A_75 = vector.shape_cast %get3A_74 : vector<16xi32> to vector<16xi32>
        %add3A_76 = arith.constant 0 : i32
        %add3A_77 = vector.broadcast %add3A_76 : i32 to vector<16xi32>
        %add3A_78 = arith.addi %get3A_75, %add3A_77 : vector<16xi32>
        %swap3A = arith.index_cast %mul3A_73 : i32 to index
        %swap3A_79 = tpu.vector_load %arg9[%swap3A] {strides = array<i32>} : memref<5504xi32, #tpu.memory_space<vmem>>, vector<16xi32>,
        %swap3A_80 = vector.shape_cast %swap3A_79 : vector<16xi32> to vector<16xi32>
        %swap3A_81 = vector.shape_cast %add3A_78 : vector<16xi32> to vector<16xi32>
        tpu.vector_store %arg9[%swap3A], %swap3A_81 {strides = array<i32>} : memref<5504xi32, #tpu.memory_space<vmem>>, vector<16xi32>,
      }
      %scan3A_38 = arith.constant 344 : i32
      "tpu.region"() ({
        %run_scoped3A = tpu.sem_alloc : memref<!tpu.dma_semaphore, #tpu.memory_space<semaphore_mem>>
        %dma_start3A = arith.constant 0 : i32
        %dma_start3A_71 = tpu.memref_slice %arg11[%dma_start3A] : memref<657408xf32, #tpu.memory_space<vmem_shared>> -> memref<657408xf32, #tpu.memory_space<vmem_shared>>
        tpu.enqueue_indirect_dma source(%arg10 : memref<5504xf32, #tpu.memory_space<vmem>>) target(%dma_start3A_71 : memref<657408xf32, #tpu.memory_space<vmem_shared>>) offsets(%arg9 : memref<5504xi32, #tpu.memory_space<vmem>>) semaphore(%run_scoped3A : memref<!tpu.dma_semaphore, #tpu.memory_space<semaphore_mem>>) {add = true}
        %dma_wait3A = arith.constant 0 : i32
        %dma_wait3A_72 = tpu.memref_slice %arg11[%dma_wait3A] : memref<657408xf32, #tpu.memory_space<vmem_shared>> -> memref<657408xf32, #tpu.memory_space<vmem_shared>>
        tpu.wait_indirect_dma semaphore(%run_scoped3A : memref<!tpu.dma_semaphore, #tpu.memory_space<semaphore_mem>>) src(%arg10 : memref<5504xf32, #tpu.memory_space<vmem>>) dst(%dma_wait3A_72 : memref<657408xf32, #tpu.memory_space<vmem_shared>>)
        tpu.yield
      }) : () -> ()
      %add3A_39 = arith.constant 528384 : i32
      %add3A_40 = arith.addi %add3A_39, %add3A_22 : i32
      "tpu.region"() ({
        %run_scoped3A = tpu.sem_alloc : memref<!tpu.dma_semaphore, #tpu.memory_space<semaphore_mem>>
        %dma_start3A = tpu.memref_slice %arg2[%add3A_40] : memref<4227072xf32, #tpu.memory_space<hbm>> -> memref<5504xf32, #tpu.memory_space<hbm>>
        %dma_start3A_71 = tpu.memref_slice %arg2[%add3A_40] : memref<4227072xf32, #tpu.memory_space<hbm>> -> memref<5504xf32, #tpu.memory_space<hbm>>
        tpu.enqueue_dma source(%dma_start3A_71 : memref<5504xf32, #tpu.memory_space<hbm>>) target(%arg10 : memref<5504xf32, #tpu.memory_space<vmem>>) target_semaphore(%run_scoped3A : memref<!tpu.dma_semaphore, #tpu.memory_space<semaphore_mem>>)
        %dma_wait3A = tpu.memref_slice %arg2[%add3A_40] : memref<4227072xf32, #tpu.memory_space<hbm>> -> memref<5504xf32, #tpu.memory_space<hbm>>
        %dma_wait3A_72 = tpu.memref_slice %arg2[%add3A_40] : memref<4227072xf32, #tpu.memory_space<hbm>> -> memref<5504xf32, #tpu.memory_space<hbm>>
        tpu.wait_dma2 semaphore(%run_scoped3A : memref<!tpu.dma_semaphore, #tpu.memory_space<semaphore_mem>>) src(%dma_wait3A_72 : memref<5504xf32, #tpu.memory_space<hbm>>) dst(%arg10 : memref<5504xf32, #tpu.memory_space<vmem>>)
        tpu.yield
      }) : () -> ()
      %scan3A_41 = arith.constant 0 : i32
      %scan3A_42 = arith.constant 0 : i32
      %scan3A_43 = arith.constant 344 : i32
      %scan3A_44 = arith.addi %scan3A_42, %scan3A_43 : i32
      %scan3A_45 = arith.constant 1 : i32
      scf.for %scan3A_71 = %scan3A_42 to %scan3A_44 step %scan3A_45  : i32 {
        %mul3A_72 = arith.constant 16 : i32
        %mul3A_73 = arith.muli %scan3A_71, %mul3A_72 : i32
        %get3A = arith.index_cast %mul3A_73 : i32 to index
        %get3A_74 = tpu.vector_load %arg8[%get3A] {strides = array<i32>} : memref<5504xi32, #tpu.memory_space<vmem>>, vector<16xi32>,
        %get3A_75 = vector.shape_cast %get3A_74 : vector<16xi32> to vector<16xi32>
        %add3A_76 = arith.constant 1 : i32
        %add3A_77 = vector.broadcast %add3A_76 : i32 to vector<16xi32>
        %add3A_78 = arith.addi %get3A_75, %add3A_77 : vector<16xi32>
        %swap3A = arith.index_cast %mul3A_73 : i32 to index
        %swap3A_79 = tpu.vector_load %arg9[%swap3A] {strides = array<i32>} : memref<5504xi32, #tpu.memory_space<vmem>>, vector<16xi32>,
        %swap3A_80 = vector.shape_cast %swap3A_79 : vector<16xi32> to vector<16xi32>
        %swap3A_81 = vector.shape_cast %add3A_78 : vector<16xi32> to vector<16xi32>
        tpu.vector_store %arg9[%swap3A], %swap3A_81 {strides = array<i32>} : memref<5504xi32, #tpu.memory_space<vmem>>, vector<16xi32>,
      }
      %scan3A_46 = arith.constant 344 : i32
      "tpu.region"() ({
        %run_scoped3A = tpu.sem_alloc : memref<!tpu.dma_semaphore, #tpu.memory_space<semaphore_mem>>
        %dma_start3A = arith.constant 0 : i32
        %dma_start3A_71 = tpu.memref_slice %arg11[%dma_start3A] : memref<657408xf32, #tpu.memory_space<vmem_shared>> -> memref<657408xf32, #tpu.memory_space<vmem_shared>>
        tpu.enqueue_indirect_dma source(%arg10 : memref<5504xf32, #tpu.memory_space<vmem>>) target(%dma_start3A_71 : memref<657408xf32, #tpu.memory_space<vmem_shared>>) offsets(%arg9 : memref<5504xi32, #tpu.memory_space<vmem>>) semaphore(%run_scoped3A : memref<!tpu.dma_semaphore, #tpu.memory_space<semaphore_mem>>) {add = true}
        %dma_wait3A = arith.constant 0 : i32
        %dma_wait3A_72 = tpu.memref_slice %arg11[%dma_wait3A] : memref<657408xf32, #tpu.memory_space<vmem_shared>> -> memref<657408xf32, #tpu.memory_space<vmem_shared>>
        tpu.wait_indirect_dma semaphore(%run_scoped3A : memref<!tpu.dma_semaphore, #tpu.memory_space<semaphore_mem>>) src(%arg10 : memref<5504xf32, #tpu.memory_space<vmem>>) dst(%dma_wait3A_72 : memref<657408xf32, #tpu.memory_space<vmem_shared>>)
        tpu.yield
      }) : () -> ()
      %add3A_47 = arith.constant 1056768 : i32
      %add3A_48 = arith.addi %add3A_47, %add3A_22 : i32
      "tpu.region"() ({
        %run_scoped3A = tpu.sem_alloc : memref<!tpu.dma_semaphore, #tpu.memory_space<semaphore_mem>>
        %dma_start3A = tpu.memref_slice %arg2[%add3A_48] : memref<4227072xf32, #tpu.memory_space<hbm>> -> memref<5504xf32, #tpu.memory_space<hbm>>
        %dma_start3A_71 = tpu.memref_slice %arg2[%add3A_48] : memref<4227072xf32, #tpu.memory_space<hbm>> -> memref<5504xf32, #tpu.memory_space<hbm>>
        tpu.enqueue_dma source(%dma_start3A_71 : memref<5504xf32, #tpu.memory_space<hbm>>) target(%arg10 : memref<5504xf32, #tpu.memory_space<vmem>>) target_semaphore(%run_scoped3A : memref<!tpu.dma_semaphore, #tpu.memory_space<semaphore_mem>>)
        %dma_wait3A = tpu.memref_slice %arg2[%add3A_48] : memref<4227072xf32, #tpu.memory_space<hbm>> -> memref<5504xf32, #tpu.memory_space<hbm>>
        %dma_wait3A_72 = tpu.memref_slice %arg2[%add3A_48] : memref<4227072xf32, #tpu.memory_space<hbm>> -> memref<5504xf32, #tpu.memory_space<hbm>>
        tpu.wait_dma2 semaphore(%run_scoped3A : memref<!tpu.dma_semaphore, #tpu.memory_space<semaphore_mem>>) src(%dma_wait3A_72 : memref<5504xf32, #tpu.memory_space<hbm>>) dst(%arg10 : memref<5504xf32, #tpu.memory_space<vmem>>)
        tpu.yield
      }) : () -> ()
      %scan3A_49 = arith.constant 0 : i32
      %scan3A_50 = arith.constant 0 : i32
      %scan3A_51 = arith.constant 344 : i32
      %scan3A_52 = arith.addi %scan3A_50, %scan3A_51 : i32
      %scan3A_53 = arith.constant 1 : i32
      scf.for %scan3A_71 = %scan3A_50 to %scan3A_52 step %scan3A_53  : i32 {
        %mul3A_72 = arith.constant 16 : i32
        %mul3A_73 = arith.muli %scan3A_71, %mul3A_72 : i32
        %get3A = arith.index_cast %mul3A_73 : i32 to index
        %get3A_74 = tpu.vector_load %arg8[%get3A] {strides = array<i32>} : memref<5504xi32, #tpu.memory_space<vmem>>, vector<16xi32>,
        %get3A_75 = vector.shape_cast %get3A_74 : vector<16xi32> to vector<16xi32>
        %add3A_76 = arith.constant 2 : i32
        %add3A_77 = vector.broadcast %add3A_76 : i32 to vector<16xi32>
        %add3A_78 = arith.addi %get3A_75, %add3A_77 : vector<16xi32>
        %swap3A = arith.index_cast %mul3A_73 : i32 to index
        %swap3A_79 = tpu.vector_load %arg9[%swap3A] {strides = array<i32>} : memref<5504xi32, #tpu.memory_space<vmem>>, vector<16xi32>,
        %swap3A_80 = vector.shape_cast %swap3A_79 : vector<16xi32> to vector<16xi32>
        %swap3A_81 = vector.shape_cast %add3A_78 : vector<16xi32> to vector<16xi32>
        tpu.vector_store %arg9[%swap3A], %swap3A_81 {strides = array<i32>} : memref<5504xi32, #tpu.memory_space<vmem>>, vector<16xi32>,
      }
      %scan3A_54 = arith.constant 344 : i32
      "tpu.region"() ({
        %run_scoped3A = tpu.sem_alloc : memref<!tpu.dma_semaphore, #tpu.memory_space<semaphore_mem>>
        %dma_start3A = arith.constant 0 : i32
        %dma_start3A_71 = tpu.memref_slice %arg11[%dma_start3A] : memref<657408xf32, #tpu.memory_space<vmem_shared>> -> memref<657408xf32, #tpu.memory_space<vmem_shared>>
        tpu.enqueue_indirect_dma source(%arg10 : memref<5504xf32, #tpu.memory_space<vmem>>) target(%dma_start3A_71 : memref<657408xf32, #tpu.memory_space<vmem_shared>>) offsets(%arg9 : memref<5504xi32, #tpu.memory_space<vmem>>) semaphore(%run_scoped3A : memref<!tpu.dma_semaphore, #tpu.memory_space<semaphore_mem>>) {add = true}
        %dma_wait3A = arith.constant 0 : i32
        %dma_wait3A_72 = tpu.memref_slice %arg11[%dma_wait3A] : memref<657408xf32, #tpu.memory_space<vmem_shared>> -> memref<657408xf32, #tpu.memory_space<vmem_shared>>
        tpu.wait_indirect_dma semaphore(%run_scoped3A : memref<!tpu.dma_semaphore, #tpu.memory_space<semaphore_mem>>) src(%arg10 : memref<5504xf32, #tpu.memory_space<vmem>>) dst(%dma_wait3A_72 : memref<657408xf32, #tpu.memory_space<vmem_shared>>)
        tpu.yield
      }) : () -> ()
      %add3A_55 = arith.constant 1585152 : i32
      %add3A_56 = arith.addi %add3A_55, %add3A_22 : i32
      "tpu.region"() ({
        %run_scoped3A = tpu.sem_alloc : memref<!tpu.dma_semaphore, #tpu.memory_space<semaphore_mem>>
        %dma_start3A = tpu.memref_slice %arg2[%add3A_56] : memref<4227072xf32, #tpu.memory_space<hbm>> -> memref<5504xf32, #tpu.memory_space<hbm>>
        %dma_start3A_71 = tpu.memref_slice %arg2[%add3A_56] : memref<4227072xf32, #tpu.memory_space<hbm>> -> memref<5504xf32, #tpu.memory_space<hbm>>
        tpu.enqueue_dma source(%dma_start3A_71 : memref<5504xf32, #tpu.memory_space<hbm>>) target(%arg10 : memref<5504xf32, #tpu.memory_space<vmem>>) target_semaphore(%run_scoped3A : memref<!tpu.dma_semaphore, #tpu.memory_space<semaphore_mem>>)
        %dma_wait3A = tpu.memref_slice %arg2[%add3A_56] : memref<4227072xf32, #tpu.memory_space<hbm>> -> memref<5504xf32, #tpu.memory_space<hbm>>
        %dma_wait3A_72 = tpu.memref_slice %arg2[%add3A_56] : memref<4227072xf32, #tpu.memory_space<hbm>> -> memref<5504xf32, #tpu.memory_space<hbm>>
        tpu.wait_dma2 semaphore(%run_scoped3A : memref<!tpu.dma_semaphore, #tpu.memory_space<semaphore_mem>>) src(%dma_wait3A_72 : memref<5504xf32, #tpu.memory_space<hbm>>) dst(%arg10 : memref<5504xf32, #tpu.memory_space<vmem>>)
        tpu.yield
      }) : () -> ()
      %scan3A_57 = arith.constant 0 : i32
      %scan3A_58 = arith.constant 0 : i32
      %scan3A_59 = arith.constant 344 : i32
      %scan3A_60 = arith.addi %scan3A_58, %scan3A_59 : i32
      %scan3A_61 = arith.constant 1 : i32
      scf.for %scan3A_71 = %scan3A_58 to %scan3A_60 step %scan3A_61  : i32 {
        %mul3A_72 = arith.constant 16 : i32
        %mul3A_73 = arith.muli %scan3A_71, %mul3A_72 : i32
        %get3A = arith.index_cast %mul3A_73 : i32 to index
        %get3A_74 = tpu.vector_load %arg8[%get3A] {strides = array<i32>} : memref<5504xi32, #tpu.memory_space<vmem>>, vector<16xi32>,
        %get3A_75 = vector.shape_cast %get3A_74 : vector<16xi32> to vector<16xi32>
        %add3A_76 = arith.constant 3 : i32
        %add3A_77 = vector.broadcast %add3A_76 : i32 to vector<16xi32>
        %add3A_78 = arith.addi %get3A_75, %add3A_77 : vector<16xi32>
        %swap3A = arith.index_cast %mul3A_73 : i32 to index
        %swap3A_79 = tpu.vector_load %arg9[%swap3A] {strides = array<i32>} : memref<5504xi32, #tpu.memory_space<vmem>>, vector<16xi32>,
        %swap3A_80 = vector.shape_cast %swap3A_79 : vector<16xi32> to vector<16xi32>
        %swap3A_81 = vector.shape_cast %add3A_78 : vector<16xi32> to vector<16xi32>
        tpu.vector_store %arg9[%swap3A], %swap3A_81 {strides = array<i32>} : memref<5504xi32, #tpu.memory_space<vmem>>, vector<16xi32>,
      }
      %scan3A_62 = arith.constant 344 : i32
      "tpu.region"() ({
        %run_scoped3A = tpu.sem_alloc : memref<!tpu.dma_semaphore, #tpu.memory_space<semaphore_mem>>
        %dma_start3A = arith.constant 0 : i32
        %dma_start3A_71 = tpu.memref_slice %arg11[%dma_start3A] : memref<657408xf32, #tpu.memory_space<vmem_shared>> -> memref<657408xf32, #tpu.memory_space<vmem_shared>>
        tpu.enqueue_indirect_dma source(%arg10 : memref<5504xf32, #tpu.memory_space<vmem>>) target(%dma_start3A_71 : memref<657408xf32, #tpu.memory_space<vmem_shared>>) offsets(%arg9 : memref<5504xi32, #tpu.memory_space<vmem>>) semaphore(%run_scoped3A : memref<!tpu.dma_semaphore, #tpu.memory_space<semaphore_mem>>) {add = true}
        %dma_wait3A = arith.constant 0 : i32
        %dma_wait3A_72 = tpu.memref_slice %arg11[%dma_wait3A] : memref<657408xf32, #tpu.memory_space<vmem_shared>> -> memref<657408xf32, #tpu.memory_space<vmem_shared>>
        tpu.wait_indirect_dma semaphore(%run_scoped3A : memref<!tpu.dma_semaphore, #tpu.memory_space<semaphore_mem>>) src(%arg10 : memref<5504xf32, #tpu.memory_space<vmem>>) dst(%dma_wait3A_72 : memref<657408xf32, #tpu.memory_space<vmem_shared>>)
        tpu.yield
      }) : () -> ()
      %add3A_63 = arith.constant 2113536 : i32
      %add3A_64 = arith.addi %add3A_63, %add3A_22 : i32
      "tpu.region"() ({
        %run_scoped3A = tpu.sem_alloc : memref<!tpu.dma_semaphore, #tpu.memory_space<semaphore_mem>>
        %dma_start3A = tpu.memref_slice %arg2[%add3A_64] : memref<4227072xf32, #tpu.memory_space<hbm>> -> memref<5504xf32, #tpu.memory_space<hbm>>
        %dma_start3A_71 = tpu.memref_slice %arg2[%add3A_64] : memref<4227072xf32, #tpu.memory_space<hbm>> -> memref<5504xf32, #tpu.memory_space<hbm>>
        tpu.enqueue_dma source(%dma_start3A_71 : memref<5504xf32, #tpu.memory_space<hbm>>) target(%arg10 : memref<5504xf32, #tpu.memory_space<vmem>>) target_semaphore(%run_scoped3A : memref<!tpu.dma_semaphore, #tpu.memory_space<semaphore_mem>>)
        %dma_wait3A = tpu.memref_slice %arg2[%add3A_64] : memref<4227072xf32, #tpu.memory_space<hbm>> -> memref<5504xf32, #tpu.memory_space<hbm>>
        %dma_wait3A_72 = tpu.memref_slice %arg2[%add3A_64] : memref<4227072xf32, #tpu.memory_space<hbm>> -> memref<5504xf32, #tpu.memory_space<hbm>>
        tpu.wait_dma2 semaphore(%run_scoped3A : memref<!tpu.dma_semaphore, #tpu.memory_space<semaphore_mem>>) src(%dma_wait3A_72 : memref<5504xf32, #tpu.memory_space<hbm>>) dst(%arg10 : memref<5504xf32, #tpu.memory_space<vmem>>)
        tpu.yield
      }) : () -> ()
      %scan3A_65 = arith.constant 0 : i32
      %scan3A_66 = arith.constant 0 : i32
      %scan3A_67 = arith.constant 344 : i32
      %scan3A_68 = arith.addi %scan3A_66, %scan3A_67 : i32
      %scan3A_69 = arith.constant 1 : i32
      scf.for %scan3A_71 = %scan3A_66 to %scan3A_68 step %scan3A_69  : i32 {
        %mul3A_72 = arith.constant 16 : i32
        %mul3A_73 = arith.muli %scan3A_71, %mul3A_72 : i32
        %get3A = arith.index_cast %mul3A_73 : i32 to index
        %get3A_74 = tpu.vector_load %arg8[%get3A] {strides = array<i32>} : memref<5504xi32, #tpu.memory_space<vmem>>, vector<16xi32>,
        %get3A_75 = vector.shape_cast %get3A_74 : vector<16xi32> to vector<16xi32>
        %add3A_76 = arith.constant 4 : i32
        %add3A_77 = vector.broadcast %add3A_76 : i32 to vector<16xi32>
        %add3A_78 = arith.addi %get3A_75, %add3A_77 : vector<16xi32>
        %swap3A = arith.index_cast %mul3A_73 : i32 to index
        %swap3A_79 = tpu.vector_load %arg9[%swap3A] {strides = array<i32>} : memref<5504xi32, #tpu.memory_space<vmem>>, vector<16xi32>,
        %swap3A_80 = vector.shape_cast %swap3A_79 : vector<16xi32> to vector<16xi32>
        %swap3A_81 = vector.shape_cast %add3A_78 : vector<16xi32> to vector<16xi32>
        tpu.vector_store %arg9[%swap3A], %swap3A_81 {strides = array<i32>} : memref<5504xi32, #tpu.memory_space<vmem>>, vector<16xi32>,
      }
      %scan3A_70 = arith.constant 344 : i32
      "tpu.region"() ({
        %run_scoped3A = tpu.sem_alloc : memref<!tpu.dma_semaphore, #tpu.memory_space<semaphore_mem>>
        %dma_start3A = arith.constant 0 : i32
        %dma_start3A_71 = tpu.memref_slice %arg11[%dma_start3A] : memref<657408xf32, #tpu.memory_space<vmem_shared>> -> memref<657408xf32, #tpu.memory_space<vmem_shared>>
        tpu.enqueue_indirect_dma source(%arg10 : memref<5504xf32, #tpu.memory_space<vmem>>) target(%dma_start3A_71 : memref<657408xf32, #tpu.memory_space<vmem_shared>>) offsets(%arg9 : memref<5504xi32, #tpu.memory_space<vmem>>) semaphore(%run_scoped3A : memref<!tpu.dma_semaphore, #tpu.memory_space<semaphore_mem>>) {add = true}
        %dma_wait3A = arith.constant 0 : i32
        %dma_wait3A_72 = tpu.memref_slice %arg11[%dma_wait3A] : memref<657408xf32, #tpu.memory_space<vmem_shared>> -> memref<657408xf32, #tpu.memory_space<vmem_shared>>
        tpu.wait_indirect_dma semaphore(%run_scoped3A : memref<!tpu.dma_semaphore, #tpu.memory_space<semaphore_mem>>) src(%arg10 : memref<5504xf32, #tpu.memory_space<vmem>>) dst(%dma_wait3A_72 : memref<657408xf32, #tpu.memory_space<vmem_shared>>)
        tpu.yield
      }) : () -> ()
    }
    %scan3A_11 = arith.constant 6 : i32
    %barrier3A_12 = arith.constant 0 : index
    tpu.barrier barrier_id(%barrier3A_12)
    %mul3A_13 = arith.constant 41088 : i32
    %mul3A_14 = arith.muli %arg1, %mul3A_13 : i32
    %mul3A_15 = arith.constant 657408 : i32
    %mul3A_16 = arith.muli %arg0, %mul3A_15 : i32
    %mul3A_17 = arith.constant 41088 : i32
    %mul3A_18 = arith.muli %arg1, %mul3A_17 : i32
    %add3A = arith.addi %mul3A_16, %mul3A_18 : i32
    "tpu.region"() ({
      %run_scoped3A = tpu.sem_alloc : memref<!tpu.dma_semaphore, #tpu.memory_space<semaphore_mem>>
      %dma_start3A = tpu.memref_slice %arg5[%add3A] : memref<1314816xf32, #tpu.memory_space<hbm>> -> memref<41088xf32, #tpu.memory_space<hbm>>
      %dma_start3A_19 = tpu.memref_slice %arg11[%mul3A_14] : memref<657408xf32, #tpu.memory_space<vmem_shared>> -> memref<41088xf32, #tpu.memory_space<vmem_shared>>
      tpu.enqueue_dma source(%dma_start3A_19 : memref<41088xf32, #tpu.memory_space<vmem_shared>>) target(%dma_start3A : memref<41088xf32, #tpu.memory_space<hbm>>) target_semaphore(%run_scoped3A : memref<!tpu.dma_semaphore, #tpu.memory_space<semaphore_mem>>)
      %dma_wait3A = tpu.memref_slice %arg5[%add3A] : memref<1314816xf32, #tpu.memory_space<hbm>> -> memref<41088xf32, #tpu.memory_space<hbm>>
      %dma_wait3A_20 = tpu.memref_slice %arg11[%mul3A_14] : memref<657408xf32, #tpu.memory_space<vmem_shared>> -> memref<41088xf32, #tpu.memory_space<vmem_shared>>
      tpu.wait_dma2 semaphore(%run_scoped3A : memref<!tpu.dma_semaphore, #tpu.memory_space<semaphore_mem>>) src(%dma_wait3A_20 : memref<41088xf32, #tpu.memory_space<vmem_shared>>) dst(%dma_wait3A : memref<41088xf32, #tpu.memory_space<hbm>>)
      tpu.yield
    }) : () -> ()
    return
  }
}

module attributes {stable_mosaic.version = 14 : i64} {
  func.func @_gate_block(%arg0: i32, %arg1: memref<1024x258xf32, #tpu.memory_space<vmem>>, %arg2: memref<258x8xf32, #tpu.memory_space<vmem>>, %arg3: memref<8xf32, #tpu.memory_space<vmem>>, %arg4: memref<1024x256xf32, #tpu.memory_space<vmem>>, %arg5: memref<1024xi32, #tpu.memory_space<vmem>>, %arg6: memref<1024xi32, #tpu.memory_space<vmem>>, %arg7: memref<1024xi32, #tpu.memory_space<vmem>>, %arg8: memref<1024xi32, #tpu.memory_space<vmem>>, %arg9: memref<1024xi32, #tpu.memory_space<vmem>>, %arg10: memref<1x8xi32, #tpu.memory_space<vmem>>, %arg11: memref<1x8xf32, #tpu.memory_space<vmem>>) attributes {dimension_semantics = [#tpu.dimension_semantics<arbitrary>], iteration_bounds = array<i64: 256>, scalar_prefetch = 0 : i64, scratch_operands = 1 : i64, tpu.core_type = #tpu.core_type<tc>, window_params = [{transform_indices = @transform_0, window_bounds = array<i64: 1024, 258>}, {pipeline_mode = #tpu.pipeline_mode<synchronous>, transform_indices = @transform_1, window_bounds = array<i64: 258, 8>}, {pipeline_mode = #tpu.pipeline_mode<synchronous>, transform_indices = @transform_2, window_bounds = array<i64: 8>}, {transform_indices = @transform_3, window_bounds = array<i64: 1024, 256>}, {transform_indices = @transform_4, window_bounds = array<i64: 1024>}, {transform_indices = @transform_5, window_bounds = array<i64: 1024>}, {transform_indices = @transform_6, window_bounds = array<i64: 1024>}, {transform_indices = @transform_7, window_bounds = array<i64: 1024>}, {transform_indices = @transform_8, window_bounds = array<i64: 1024>}, {pipeline_mode = #tpu.pipeline_mode<synchronous>, transform_indices = @transform_9, window_bounds = array<i64: 1, 8>}]} {
    %eq3A = arith.constant 0 : i32
    %eq3A_0 = arith.cmpi eq, %arg0, %eq3A : i32
    %convert_element_type3A = arith.extui %eq3A_0 : i1 to i32
    %cond3A = arith.constant 0 : i32
    %cond3A_1 = arith.cmpi ne, %convert_element_type3A, %cond3A : i32
    scf.if %cond3A_1 {
      %broadcast_in_dim3A_106 = arith.constant 0.000000e+00 : f32
      %broadcast_in_dim3A_107 = vector.broadcast %broadcast_in_dim3A_106 : f32 to vector<1x8xf32>
      %swap3A_108 = arith.constant 0 : index
      %swap3A_109 = arith.constant 0 : index
      %swap3A_110 = vector.load %arg11[%swap3A_108, %swap3A_109] : memref<1x8xf32, #tpu.memory_space<vmem>>, vector<1x8xf32>
      tpu.vector_store %arg11[%swap3A_108, %swap3A_109], %broadcast_in_dim3A_107 {strides = array<i32>} : memref<1x8xf32, #tpu.memory_space<vmem>>, vector<1x8xf32>,
    } else {
    }
    %get3A = arith.constant 0 : index
    %get3A_2 = arith.constant 0 : index
    %get3A_3 = vector.load %arg1[%get3A, %get3A_2] : memref<1024x258xf32, #tpu.memory_space<vmem>>, vector<1024x258xf32>
    %get3A_4 = arith.constant 0 : index
    %get3A_5 = arith.constant 0 : index
    %get3A_6 = vector.load %arg2[%get3A_4, %get3A_5] : memref<258x8xf32, #tpu.memory_space<vmem>>, vector<258x8xf32>
    %dot_general3A = arith.constant dense<0.000000e+00> : vector<1024x8xf32>
    %dot_general3A_7 = tpu.matmul %get3A_3, %get3A_6, %dot_general3A {dimension_numbers = #tpu.dot_dimension_numbers<[1], [0], [0], [1], [0, 0, 1, 1], [], []>, transpose_lhs_hint = false} : vector<1024x258xf32>, vector<258x8xf32>, vector<1024x8xf32> -> vector<1024x8xf32>
    %get3A_8 = arith.constant 0 : index
    %get3A_9 = vector.load %arg3[%get3A_8] : memref<8xf32, #tpu.memory_space<vmem>>, vector<8xf32>
    %broadcast_in_dim3A = vector.shape_cast %get3A_9 : vector<8xf32> to vector<1x8xf32>
    %add3A = vector.broadcast %broadcast_in_dim3A : vector<1x8xf32> to vector<1024x8xf32>
    %add3A_10 = arith.addf %dot_general3A_7, %add3A : vector<1024x8xf32>
    %argmax3A = tpu.reduce_index %add3A_10 {axis = 1 : i32, kind = #tpu.reduction_kind<arg_max>} : vector<1024x8xf32> -> vector<1024xi32>
    %reduce_max3A = arith.constant dense<0xFF800000> : vector<1024xf32>
    %reduce_max3A_11 = vector.multi_reduction <maximumf>, %add3A_10, %reduce_max3A [1] : vector<1024x8xf32> to vector<1024xf32>
    %iota3A = tpu.iota {dimensions = array<i32: 1>} : vector<1024x8xi32>
    %broadcast_in_dim3A_12 = vector.shape_cast %argmax3A : vector<1024xi32> to vector<1024x1xi32>
    %eq3A_13 = vector.broadcast %broadcast_in_dim3A_12 : vector<1024x1xi32> to vector<1024x8xi32>
    %eq3A_14 = arith.cmpi eq, %iota3A, %eq3A_13 : vector<1024x8xi32>
    %jit3A = arith.constant 0xFF800000 : f32
    %broadcast_in_dim3A_15 = vector.broadcast %jit3A : f32 to vector<1024x8xf32>
    %select_n3A = arith.select %eq3A_14, %broadcast_in_dim3A_15, %add3A_10 : vector<1024x8xi1>, vector<1024x8xf32>
    %argmax3A_16 = tpu.reduce_index %select_n3A {axis = 1 : i32, kind = #tpu.reduction_kind<arg_max>} : vector<1024x8xf32> -> vector<1024xi32>
    %reduce_max3A_17 = arith.constant dense<0xFF800000> : vector<1024xf32>
    %reduce_max3A_18 = vector.multi_reduction <maximumf>, %select_n3A, %reduce_max3A_17 [1] : vector<1024x8xf32> to vector<1024xf32>
    %sub3A = arith.subf %reduce_max3A_18, %reduce_max3A_11 : vector<1024xf32>
    %exp3A = math.exp %sub3A : vector<1024xf32>
    %add3A_19 = arith.constant 1.000000e+00 : f32
    %add3A_20 = vector.broadcast %add3A_19 : f32 to vector<1024xf32>
    %add3A_21 = arith.addf %add3A_20, %exp3A : vector<1024xf32>
    %div3A = arith.constant 1.000000e+00 : f32
    %div3A_22 = vector.broadcast %div3A : f32 to vector<1024xf32>
    %div3A_23 = arith.divf %div3A_22, %add3A_21 : vector<1024xf32>
    %mul3A = arith.mulf %exp3A, %div3A_23 : vector<1024xf32>
    %slice3A = vector.extract_strided_slice %get3A_3 {offsets = [0, 0], sizes = [1024, 256], strides = [1, 1]} : vector<1024x258xf32> to vector<1024x256xf32>
    %swap3A = arith.constant 0 : index
    %swap3A_24 = arith.constant 0 : index
    %swap3A_25 = vector.load %arg4[%swap3A, %swap3A_24] : memref<1024x256xf32, #tpu.memory_space<vmem>>, vector<1024x256xf32>
    tpu.vector_store %arg4[%swap3A, %swap3A_24], %slice3A {strides = array<i32>} : memref<1024x256xf32, #tpu.memory_space<vmem>>, vector<1024x256xf32>,
    %slice3A_26 = vector.extract_strided_slice %get3A_3 {offsets = [0, 256], sizes = [1024, 2], strides = [1, 1]} : vector<1024x258xf32> to vector<1024x2xf32>
    %bitcast_convert_type3A = tpu.bitcast %slice3A_26 : vector<1024x2xf32> -> vector<1024x2xi32>
    %add3A_27 = arith.constant 32767 : i32
    %add3A_28 = vector.broadcast %add3A_27 : i32 to vector<1024x2xi32>
    %add3A_29 = arith.addi %bitcast_convert_type3A, %add3A_28 : vector<1024x2xi32>
    %shift_right_arithmetic3A = arith.constant 16 : i32
    %shift_right_arithmetic3A_30 = vector.broadcast %shift_right_arithmetic3A : i32 to vector<1024x2xi32>
    %shift_right_arithmetic3A_31 = arith.shrsi %bitcast_convert_type3A, %shift_right_arithmetic3A_30 : vector<1024x2xi32>
    %and3A = arith.constant 1 : i32
    %and3A_32 = vector.broadcast %and3A : i32 to vector<1024x2xi32>
    %and3A_33 = arith.andi %shift_right_arithmetic3A_31, %and3A_32 : vector<1024x2xi32>
    %add3A_34 = arith.addi %add3A_29, %and3A_33 : vector<1024x2xi32>
    %shift_right_arithmetic3A_35 = arith.constant 16 : i32
    %shift_right_arithmetic3A_36 = vector.broadcast %shift_right_arithmetic3A_35 : i32 to vector<1024x2xi32>
    %shift_right_arithmetic3A_37 = arith.shrsi %add3A_34, %shift_right_arithmetic3A_36 : vector<1024x2xi32>
    %slice3A_38 = vector.extract_strided_slice %shift_right_arithmetic3A_37 {offsets = [0, 0], sizes = [1024, 1], strides = [1, 1]} : vector<1024x2xi32> to vector<1024x1xi32>
    %squeeze3A = vector.shape_cast %slice3A_38 : vector<1024x1xi32> to vector<1024xi32>
    %shift_left3A = arith.constant 16 : i32
    %shift_left3A_39 = vector.broadcast %shift_left3A : i32 to vector<1024xi32>
    %shift_left3A_40 = arith.shli %squeeze3A, %shift_left3A_39 : vector<1024xi32>
    %slice3A_41 = vector.extract_strided_slice %shift_right_arithmetic3A_37 {offsets = [0, 1], sizes = [1024, 1], strides = [1, 1]} : vector<1024x2xi32> to vector<1024x1xi32>
    %squeeze3A_42 = vector.shape_cast %slice3A_41 : vector<1024x1xi32> to vector<1024xi32>
    %and3A_43 = arith.constant 65535 : i32
    %and3A_44 = vector.broadcast %and3A_43 : i32 to vector<1024xi32>
    %and3A_45 = arith.andi %squeeze3A_42, %and3A_44 : vector<1024xi32>
    %or3A = arith.ori %shift_left3A_40, %and3A_45 : vector<1024xi32>
    %swap3A_46 = arith.constant 0 : index
    %swap3A_47 = vector.load %arg5[%swap3A_46] : memref<1024xi32, #tpu.memory_space<vmem>>, vector<1024xi32>
    tpu.vector_store %arg5[%swap3A_46], %or3A {strides = array<i32>} : memref<1024xi32, #tpu.memory_space<vmem>>, vector<1024xi32>,
    %swap3A_48 = arith.constant 0 : index
    %swap3A_49 = vector.load %arg6[%swap3A_48] : memref<1024xi32, #tpu.memory_space<vmem>>, vector<1024xi32>
    tpu.vector_store %arg6[%swap3A_48], %argmax3A {strides = array<i32>} : memref<1024xi32, #tpu.memory_space<vmem>>, vector<1024xi32>,
    %swap3A_50 = arith.constant 0 : index
    %swap3A_51 = vector.load %arg7[%swap3A_50] : memref<1024xi32, #tpu.memory_space<vmem>>, vector<1024xi32>
    tpu.vector_store %arg7[%swap3A_50], %argmax3A_16 {strides = array<i32>} : memref<1024xi32, #tpu.memory_space<vmem>>, vector<1024xi32>,
    %mul3A_52 = arith.constant 1024 : i32
    %mul3A_53 = arith.muli %arg0, %mul3A_52 : i32
    %iota3A_54 = tpu.iota {dimensions = array<i32: 1>} : vector<1x1024xi32>
    %iota3A_55 = vector.shape_cast %iota3A_54 : vector<1x1024xi32> to vector<1024xi32>
    %add3A_56 = vector.broadcast %mul3A_53 : i32 to vector<1024xi32>
    %add3A_57 = arith.addi %add3A_56, %iota3A_55 : vector<1024xi32>
    %mul3A_58 = arith.constant 4096 : i32
    %mul3A_59 = vector.broadcast %mul3A_58 : i32 to vector<1024xi32>
    %mul3A_60 = arith.muli %add3A_57, %mul3A_59 : vector<1024xi32>
    %mul3A_61 = arith.constant 4.095000e+03 : f32
    %mul3A_62 = vector.broadcast %mul3A_61 : f32 to vector<1024xf32>
    %mul3A_63 = arith.mulf %div3A_23, %mul3A_62 : vector<1024xf32>
    %round3A = math.roundeven %mul3A_63 : vector<1024xf32>
    %convert_element_type3A_64 = arith.fptosi %round3A : vector<1024xf32> to vector<1024xi32>
    %add3A_65 = arith.addi %mul3A_60, %convert_element_type3A_64 : vector<1024xi32>
    %swap3A_66 = arith.constant 0 : index
    %swap3A_67 = vector.load %arg8[%swap3A_66] : memref<1024xi32, #tpu.memory_space<vmem>>, vector<1024xi32>
    tpu.vector_store %arg8[%swap3A_66], %add3A_65 {strides = array<i32>} : memref<1024xi32, #tpu.memory_space<vmem>>, vector<1024xi32>,
    %mul3A_68 = arith.constant 4096 : i32
    %mul3A_69 = vector.broadcast %mul3A_68 : i32 to vector<1024xi32>
    %mul3A_70 = arith.muli %add3A_57, %mul3A_69 : vector<1024xi32>
    %mul3A_71 = arith.constant 4.095000e+03 : f32
    %mul3A_72 = vector.broadcast %mul3A_71 : f32 to vector<1024xf32>
    %mul3A_73 = arith.mulf %mul3A, %mul3A_72 : vector<1024xf32>
    %round3A_74 = math.roundeven %mul3A_73 : vector<1024xf32>
    %convert_element_type3A_75 = arith.fptosi %round3A_74 : vector<1024xf32> to vector<1024xi32>
    %add3A_76 = arith.addi %mul3A_70, %convert_element_type3A_75 : vector<1024xi32>
    %swap3A_77 = arith.constant 0 : index
    %swap3A_78 = vector.load %arg9[%swap3A_77] : memref<1024xi32, #tpu.memory_space<vmem>>, vector<1024xi32>
    tpu.vector_store %arg9[%swap3A_77], %add3A_76 {strides = array<i32>} : memref<1024xi32, #tpu.memory_space<vmem>>, vector<1024xi32>,
    %broadcast_in_dim3A_79 = vector.shape_cast %argmax3A : vector<1024xi32> to vector<1024x1xi32>
    %eq3A_80 = vector.broadcast %broadcast_in_dim3A_79 : vector<1024x1xi32> to vector<1024x8xi32>
    %eq3A_81 = arith.cmpi eq, %iota3A, %eq3A_80 : vector<1024x8xi32>
    %convert_element_type3A_82 = arith.extui %eq3A_81 : vector<1024x8xi1> to vector<1024x8xi32>
    %convert_element_type3A_83 = arith.sitofp %convert_element_type3A_82 : vector<1024x8xi32> to vector<1024x8xf32>
    %broadcast_in_dim3A_84 = vector.shape_cast %argmax3A_16 : vector<1024xi32> to vector<1024x1xi32>
    %eq3A_85 = vector.broadcast %broadcast_in_dim3A_84 : vector<1024x1xi32> to vector<1024x8xi32>
    %eq3A_86 = arith.cmpi eq, %iota3A, %eq3A_85 : vector<1024x8xi32>
    %convert_element_type3A_87 = arith.extui %eq3A_86 : vector<1024x8xi1> to vector<1024x8xi32>
    %convert_element_type3A_88 = arith.sitofp %convert_element_type3A_87 : vector<1024x8xi32> to vector<1024x8xf32>
    %add3A_89 = arith.addf %convert_element_type3A_83, %convert_element_type3A_88 : vector<1024x8xf32>
    %get3A_90 = arith.constant 0 : index
    %get3A_91 = arith.constant 0 : index
    %get3A_92 = vector.load %arg11[%get3A_90, %get3A_91] : memref<1x8xf32, #tpu.memory_space<vmem>>, vector<1x8xf32>
    %reduce_sum3A = arith.constant dense<0.000000e+00> : vector<8xf32>
    %reduce_sum3A_93 = vector.multi_reduction <add>, %add3A_89, %reduce_sum3A [0] : vector<1024x8xf32> to vector<8xf32>
    %broadcast_in_dim3A_94 = vector.shape_cast %reduce_sum3A_93 : vector<8xf32> to vector<1x8xf32>
    %add3A_95 = arith.addf %get3A_92, %broadcast_in_dim3A_94 : vector<1x8xf32>
    %swap3A_96 = arith.constant 0 : index
    %swap3A_97 = arith.constant 0 : index
    %swap3A_98 = vector.load %arg11[%swap3A_96, %swap3A_97] : memref<1x8xf32, #tpu.memory_space<vmem>>, vector<1x8xf32>
    tpu.vector_store %arg11[%swap3A_96, %swap3A_97], %add3A_95 {strides = array<i32>} : memref<1x8xf32, #tpu.memory_space<vmem>>, vector<1x8xf32>,
    %get3A_99 = arith.constant 0 : index
    %get3A_100 = arith.constant 0 : index
    %get3A_101 = vector.load %arg11[%get3A_99, %get3A_100] : memref<1x8xf32, #tpu.memory_space<vmem>>, vector<1x8xf32>
    %convert_element_type3A_102 = arith.fptosi %get3A_101 : vector<1x8xf32> to vector<1x8xi32>
    %swap3A_103 = arith.constant 0 : index
    %swap3A_104 = arith.constant 0 : index
    %swap3A_105 = vector.load %arg10[%swap3A_103, %swap3A_104] : memref<1x8xi32, #tpu.memory_space<vmem>>, vector<1x8xi32>
    tpu.vector_store %arg10[%swap3A_103, %swap3A_104], %convert_element_type3A_102 {strides = array<i32>} : memref<1x8xi32, #tpu.memory_space<vmem>>, vector<1x8xi32>,
    return
  }
  func.func @transform_0(%arg0: i32) -> (i32, i32) {
    %c0_i32 = arith.constant 0 : i32
    %c0_i32_0 = arith.constant 0 : i32
    return %arg0, %c0_i32 : i32, i32
  }
  func.func @transform_1(%arg0: i32) -> (i32, i32) {
    %c0_i32 = arith.constant 0 : i32
    %c0_i32_0 = arith.constant 0 : i32
    %c0_i32_1 = arith.constant 0 : i32
    return %c0_i32, %c0_i32_0 : i32, i32
  }
  func.func @transform_2(%arg0: i32) -> i32 {
    %c0_i32 = arith.constant 0 : i32
    %c0_i32_0 = arith.constant 0 : i32
    return %c0_i32 : i32
  }
  func.func @transform_3(%arg0: i32) -> (i32, i32) {
    %c0_i32 = arith.constant 0 : i32
    %c0_i32_0 = arith.constant 0 : i32
    return %arg0, %c0_i32 : i32, i32
  }
  func.func @transform_4(%arg0: i32) -> i32 {
    %c0_i32 = arith.constant 0 : i32
    return %arg0 : i32
  }
  func.func @transform_5(%arg0: i32) -> i32 {
    %c0_i32 = arith.constant 0 : i32
    return %arg0 : i32
  }
  func.func @transform_6(%arg0: i32) -> i32 {
    %c0_i32 = arith.constant 0 : i32
    return %arg0 : i32
  }
  func.func @transform_7(%arg0: i32) -> i32 {
    %c0_i32 = arith.constant 0 : i32
    return %arg0 : i32
  }
  func.func @transform_8(%arg0: i32) -> i32 {
    %c0_i32 = arith.constant 0 : i32
    return %arg0 : i32
  }
  func.func @transform_9(%arg0: i32) -> (i32, i32) {
    %c0_i32 = arith.constant 0 : i32
    %c0_i32_0 = arith.constant 0 : i32
    %c0_i32_1 = arith.constant 0 : i32
    return %c0_i32, %c0_i32_0 : i32, i32
  }
}

module attributes {stable_mosaic.version = 14 : i64} {
  func.func @_pos_block(%arg0: i32, %arg1: memref<256xi32, #tpu.memory_space<vmem>>, %arg2: memref<256xi32, #tpu.memory_space<vmem>>, %arg3: memref<1x8xi32, #tpu.memory_space<vmem>>, %arg4: memref<256x256xf32, #tpu.memory_space<vmem>>, %arg5: memref<256xi32, #tpu.memory_space<vmem>>, %arg6: memref<256xi32, #tpu.memory_space<vmem>>, %arg7: memref<1x8xf32, #tpu.memory_space<vmem>>) attributes {dimension_semantics = [#tpu.dimension_semantics<arbitrary>], iteration_bounds = array<i64: 1024>, scalar_prefetch = 0 : i64, scratch_operands = 1 : i64, tpu.core_type = #tpu.core_type<tc>, window_params = [{transform_indices = @transform_0, window_bounds = array<i64: 256>}, {transform_indices = @transform_1, window_bounds = array<i64: 256>}, {pipeline_mode = #tpu.pipeline_mode<synchronous>, transform_indices = @transform_2, window_bounds = array<i64: 1, 8>}, {pipeline_mode = #tpu.pipeline_mode<synchronous>, transform_indices = @transform_3, window_bounds = array<i64: 256, 256>}, {transform_indices = @transform_4, window_bounds = array<i64: 256>}, {transform_indices = @transform_5, window_bounds = array<i64: 256>}]} {
    %eq3A = arith.constant 0 : i32
    %eq3A_0 = arith.cmpi eq, %arg0, %eq3A : i32
    %convert_element_type3A = arith.extui %eq3A_0 : i1 to i32
    %cond3A = arith.constant 0 : i32
    %cond3A_1 = arith.cmpi ne, %convert_element_type3A, %cond3A : i32
    scf.if %cond3A_1 {
      %broadcast_in_dim3A_47 = arith.constant 0.000000e+00 : f32
      %broadcast_in_dim3A_48 = vector.broadcast %broadcast_in_dim3A_47 : f32 to vector<1x8xf32>
      %swap3A_49 = arith.constant 0 : index
      %swap3A_50 = arith.constant 0 : index
      %swap3A_51 = vector.load %arg7[%swap3A_49, %swap3A_50] : memref<1x8xf32, #tpu.memory_space<vmem>>, vector<1x8xf32>
      tpu.vector_store %arg7[%swap3A_49, %swap3A_50], %broadcast_in_dim3A_48 {strides = array<i32>} : memref<1x8xf32, #tpu.memory_space<vmem>>, vector<1x8xf32>,
    } else {
    }
    %get3A = arith.constant 0 : index
    %get3A_2 = vector.load %arg1[%get3A] : memref<256xi32, #tpu.memory_space<vmem>>, vector<256xi32>
    %get3A_3 = arith.constant 0 : index
    %get3A_4 = vector.load %arg2[%get3A_3] : memref<256xi32, #tpu.memory_space<vmem>>, vector<256xi32>
    %iota3A = tpu.iota {dimensions = array<i32: 1>} : vector<256x8xi32>
    %broadcast_in_dim3A = vector.shape_cast %get3A_2 : vector<256xi32> to vector<256x1xi32>
    %eq3A_5 = vector.broadcast %broadcast_in_dim3A : vector<256x1xi32> to vector<256x8xi32>
    %eq3A_6 = arith.cmpi eq, %iota3A, %eq3A_5 : vector<256x8xi32>
    %convert_element_type3A_7 = arith.extui %eq3A_6 : vector<256x8xi1> to vector<256x8xi32>
    %convert_element_type3A_8 = arith.sitofp %convert_element_type3A_7 : vector<256x8xi32> to vector<256x8xf32>
    %broadcast_in_dim3A_9 = vector.shape_cast %get3A_4 : vector<256xi32> to vector<256x1xi32>
    %eq3A_10 = vector.broadcast %broadcast_in_dim3A_9 : vector<256x1xi32> to vector<256x8xi32>
    %eq3A_11 = arith.cmpi eq, %iota3A, %eq3A_10 : vector<256x8xi32>
    %convert_element_type3A_12 = arith.extui %eq3A_11 : vector<256x8xi1> to vector<256x8xi32>
    %convert_element_type3A_13 = arith.sitofp %convert_element_type3A_12 : vector<256x8xi32> to vector<256x8xf32>
    %add3A = arith.addf %convert_element_type3A_8, %convert_element_type3A_13 : vector<256x8xf32>
    %get3A_14 = arith.constant 0 : index
    %get3A_15 = arith.constant 0 : index
    %get3A_16 = vector.load %arg4[%get3A_14, %get3A_15] : memref<256x256xf32, #tpu.memory_space<vmem>>, vector<256x256xf32>
    %dot_general3A = arith.constant dense<0.000000e+00> : vector<256x8xf32>
    %dot_general3A_17 = tpu.matmul %get3A_16, %add3A, %dot_general3A {dimension_numbers = #tpu.dot_dimension_numbers<[1], [0], [0], [1], [0, 0, 1, 1], [], []>, transpose_lhs_hint = false} : vector<256x256xf32>, vector<256x8xf32>, vector<256x8xf32> -> vector<256x8xf32>
    %get3A_18 = arith.constant 0 : index
    %get3A_19 = arith.constant 0 : index
    %get3A_20 = vector.load %arg3[%get3A_18, %get3A_19] : memref<1x8xi32, #tpu.memory_space<vmem>>, vector<1x8xi32>
    %convert_element_type3A_21 = arith.sitofp %get3A_20 : vector<1x8xi32> to vector<1x8xf32>
    %get3A_22 = arith.constant 0 : index
    %get3A_23 = arith.constant 0 : index
    %get3A_24 = vector.load %arg7[%get3A_22, %get3A_23] : memref<1x8xf32, #tpu.memory_space<vmem>>, vector<1x8xf32>
    %add3A_25 = arith.addf %convert_element_type3A_21, %get3A_24 : vector<1x8xf32>
    %add3A_26 = vector.broadcast %add3A_25 : vector<1x8xf32> to vector<256x8xf32>
    %add3A_27 = arith.addf %add3A_26, %dot_general3A_17 : vector<256x8xf32>
    %mul3A = arith.mulf %convert_element_type3A_8, %add3A_27 : vector<256x8xf32>
    %reduce_sum3A = arith.constant dense<0.000000e+00> : vector<256xf32>
    %reduce_sum3A_28 = vector.multi_reduction <add>, %mul3A, %reduce_sum3A [1] : vector<256x8xf32> to vector<256xf32>
    %convert_element_type3A_29 = arith.fptosi %reduce_sum3A_28 : vector<256xf32> to vector<256xi32>
    %swap3A = arith.constant 0 : index
    %swap3A_30 = vector.load %arg5[%swap3A] : memref<256xi32, #tpu.memory_space<vmem>>, vector<256xi32>
    tpu.vector_store %arg5[%swap3A], %convert_element_type3A_29 {strides = array<i32>} : memref<256xi32, #tpu.memory_space<vmem>>, vector<256xi32>,
    %mul3A_31 = arith.mulf %convert_element_type3A_13, %add3A_27 : vector<256x8xf32>
    %reduce_sum3A_32 = arith.constant dense<0.000000e+00> : vector<256xf32>
    %reduce_sum3A_33 = vector.multi_reduction <add>, %mul3A_31, %reduce_sum3A_32 [1] : vector<256x8xf32> to vector<256xf32>
    %convert_element_type3A_34 = arith.fptosi %reduce_sum3A_33 : vector<256xf32> to vector<256xi32>
    %swap3A_35 = arith.constant 0 : index
    %swap3A_36 = vector.load %arg6[%swap3A_35] : memref<256xi32, #tpu.memory_space<vmem>>, vector<256xi32>
    tpu.vector_store %arg6[%swap3A_35], %convert_element_type3A_34 {strides = array<i32>} : memref<256xi32, #tpu.memory_space<vmem>>, vector<256xi32>,
    %get3A_37 = arith.constant 0 : index
    %get3A_38 = arith.constant 0 : index
    %get3A_39 = vector.load %arg7[%get3A_37, %get3A_38] : memref<1x8xf32, #tpu.memory_space<vmem>>, vector<1x8xf32>
    %reduce_sum3A_40 = arith.constant dense<0.000000e+00> : vector<8xf32>
    %reduce_sum3A_41 = vector.multi_reduction <add>, %add3A, %reduce_sum3A_40 [0] : vector<256x8xf32> to vector<8xf32>
    %broadcast_in_dim3A_42 = vector.shape_cast %reduce_sum3A_41 : vector<8xf32> to vector<1x8xf32>
    %add3A_43 = arith.addf %get3A_39, %broadcast_in_dim3A_42 : vector<1x8xf32>
    %swap3A_44 = arith.constant 0 : index
    %swap3A_45 = arith.constant 0 : index
    %swap3A_46 = vector.load %arg7[%swap3A_44, %swap3A_45] : memref<1x8xf32, #tpu.memory_space<vmem>>, vector<1x8xf32>
    tpu.vector_store %arg7[%swap3A_44, %swap3A_45], %add3A_43 {strides = array<i32>} : memref<1x8xf32, #tpu.memory_space<vmem>>, vector<1x8xf32>,
    return
  }
  func.func @transform_0(%arg0: i32) -> i32 {
    %c0_i32 = arith.constant 0 : i32
    return %arg0 : i32
  }
  func.func @transform_1(%arg0: i32) -> i32 {
    %c0_i32 = arith.constant 0 : i32
    return %arg0 : i32
  }
  func.func @transform_2(%arg0: i32) -> (i32, i32) {
    %c0_i32 = arith.constant 0 : i32
    %c0_i32_0 = arith.constant 0 : i32
    %c0_i32_1 = arith.constant 0 : i32
    return %c0_i32, %c0_i32_0 : i32, i32
  }
  func.func @transform_3(%arg0: i32) -> (i32, i32) {
    %c0_i32 = arith.constant 0 : i32
    %c0_i32_0 = arith.constant 0 : i32
    %c0_i32_1 = arith.constant 0 : i32
    return %c0_i32, %c0_i32_0 : i32, i32
  }
  func.func @transform_4(%arg0: i32) -> i32 {
    %c0_i32 = arith.constant 0 : i32
    return %arg0 : i32
  }
  func.func @transform_5(%arg0: i32) -> i32 {
    %c0_i32 = arith.constant 0 : i32
    return %arg0 : i32
  }
}

module attributes {stable_mosaic.version = 14 : i64} {
  func.func @_mlp_block(%arg0: i32, %arg1: memref<1032xi32, #tpu.memory_space<smem>>, %arg2: memref<512x256xf32, #tpu.memory_space<vmem>>, %arg3: memref<1x1x512xi32, #tpu.memory_space<vmem>>, %arg4: memref<1x1x512xi32, #tpu.memory_space<vmem>>, %arg5: memref<1x1x512xi32, #tpu.memory_space<vmem>>, %arg6: memref<1x1x512xi32, #tpu.memory_space<vmem>>, %arg7: memref<8x258x256xbf16, #tpu.memory_space<vmem>>, %arg8: memref<8x1x256xf32, #tpu.memory_space<vmem>>, %arg9: memref<8x256x256xbf16, #tpu.memory_space<vmem>>, %arg10: memref<8x1x256xf32, #tpu.memory_space<vmem>>, %arg11: memref<8x256x256xbf16, #tpu.memory_space<vmem>>, %arg12: memref<8x1x256xf32, #tpu.memory_space<vmem>>, %arg13: memref<8x256x8xbf16, #tpu.memory_space<vmem>>, %arg14: memref<8x1x8xf32, #tpu.memory_space<vmem>>, %arg15: memref<8x512xf32, #tpu.memory_space<vmem>>) attributes {dimension_semantics = [#tpu.dimension_semantics<arbitrary>], iteration_bounds = array<i64: 1032>, scalar_prefetch = 1 : i64, scratch_operands = 0 : i64, tpu.core_type = #tpu.core_type<tc>, window_params = [{transform_indices = @transform_0, window_bounds = array<i64: 512, 256>}, {transform_indices = @transform_1, window_bounds = array<i64: 1, 1, 512>}, {transform_indices = @transform_2, window_bounds = array<i64: 1, 1, 512>}, {transform_indices = @transform_3, window_bounds = array<i64: 1, 1, 512>}, {transform_indices = @transform_4, window_bounds = array<i64: 1, 1, 512>}, {pipeline_mode = #tpu.pipeline_mode<synchronous>, transform_indices = @transform_5, window_bounds = array<i64: 8, 258, 256>}, {pipeline_mode = #tpu.pipeline_mode<synchronous>, transform_indices = @transform_6, window_bounds = array<i64: 8, 1, 256>}, {pipeline_mode = #tpu.pipeline_mode<synchronous>, transform_indices = @transform_7, window_bounds = array<i64: 8, 256, 256>}, {pipeline_mode = #tpu.pipeline_mode<synchronous>, transform_indices = @transform_8, window_bounds = array<i64: 8, 1, 256>}, {pipeline_mode = #tpu.pipeline_mode<synchronous>, transform_indices = @transform_9, window_bounds = array<i64: 8, 256, 256>}, {pipeline_mode = #tpu.pipeline_mode<synchronous>, transform_indices = @transform_10, window_bounds = array<i64: 8, 1, 256>}, {pipeline_mode = #tpu.pipeline_mode<synchronous>, transform_indices = @transform_11, window_bounds = array<i64: 8, 256, 8>}, {pipeline_mode = #tpu.pipeline_mode<synchronous>, transform_indices = @transform_12, window_bounds = array<i64: 8, 1, 8>}, {transform_indices = @transform_13, window_bounds = array<i64: 8, 512>}]} {
    %get3A = arith.index_cast %arg0 : i32 to index
    %get3A_0 = memref.load %arg1[%get3A] : memref<1032xi32, #tpu.memory_space<smem>>
    %get3A_1 = arith.constant 0 : index
    %get3A_2 = arith.constant 0 : index
    %get3A_3 = vector.load %arg2[%get3A_1, %get3A_2] : memref<512x256xf32, #tpu.memory_space<vmem>>, vector<512x256xf32>
    %convert_element_type3A = arith.truncf %get3A_3 : vector<512x256xf32> to vector<512x256xbf16>
    %get3A_4 = arith.index_cast %get3A_0 : i32 to index
    %get3A_5 = arith.constant 0 : index
    %get3A_6 = arith.constant 0 : index
    %get3A_7 = vector.load %arg7[%get3A_4, %get3A_5, %get3A_6] : memref<8x258x256xbf16, #tpu.memory_space<vmem>>, vector<1x258x256xbf16>
    %squeeze3A = vector.shape_cast %get3A_7 : vector<1x258x256xbf16> to vector<258x256xbf16>
    %slice3A = vector.extract_strided_slice %squeeze3A {offsets = [0, 0], sizes = [256, 256], strides = [1, 1]} : vector<258x256xbf16> to vector<256x256xbf16>
    %dot_general3A = arith.constant dense<0.000000e+00> : vector<512x256xf32>
    %dot_general3A_8 = tpu.matmul %convert_element_type3A, %slice3A, %dot_general3A {dimension_numbers = #tpu.dot_dimension_numbers<[1], [0], [0], [1], [0, 0, 1, 1], [], []>, transpose_lhs_hint = false} : vector<512x256xbf16>, vector<256x256xbf16>, vector<512x256xf32> -> vector<512x256xf32>
    %get3A_9 = arith.constant 0 : index
    %get3A_10 = arith.constant 0 : index
    %get3A_11 = arith.constant 0 : index
    %get3A_12 = vector.load %arg3[%get3A_9, %get3A_10, %get3A_11] : memref<1x1x512xi32, #tpu.memory_space<vmem>>, vector<1x1x512xi32>
    %get3A_13 = vector.shape_cast %get3A_12 : vector<1x1x512xi32> to vector<512xi32>
    %get3A_14 = arith.constant 0 : index
    %get3A_15 = arith.constant 0 : index
    %get3A_16 = arith.constant 0 : index
    %get3A_17 = vector.load %arg4[%get3A_14, %get3A_15, %get3A_16] : memref<1x1x512xi32, #tpu.memory_space<vmem>>, vector<1x1x512xi32>
    %get3A_18 = vector.shape_cast %get3A_17 : vector<1x1x512xi32> to vector<512xi32>
    %add3A = arith.addi %get3A_13, %get3A_18 : vector<512xi32>
    %and3A = arith.constant -65536 : i32
    %and3A_19 = vector.broadcast %and3A : i32 to vector<512xi32>
    %and3A_20 = arith.andi %add3A, %and3A_19 : vector<512xi32>
    %bitcast_convert_type3A = tpu.bitcast %and3A_20 : vector<512xi32> -> vector<512xf32>
    %shift_left3A = arith.constant 16 : i32
    %shift_left3A_21 = vector.broadcast %shift_left3A : i32 to vector<512xi32>
    %shift_left3A_22 = arith.shli %add3A, %shift_left3A_21 : vector<512xi32>
    %bitcast_convert_type3A_23 = tpu.bitcast %shift_left3A_22 : vector<512xi32> -> vector<512xf32>
    %broadcast_in_dim3A = vector.shape_cast %bitcast_convert_type3A : vector<512xf32> to vector<512x1xf32>
    %broadcast_in_dim3A_24 = vector.shape_cast %bitcast_convert_type3A_23 : vector<512xf32> to vector<512x1xf32>
    %concatenate3A = tpu.concatenate %broadcast_in_dim3A, %broadcast_in_dim3A_24 in 1 : vector<512x1xf32>, vector<512x1xf32> -> vector<512x2xf32>
    %convert_element_type3A_25 = arith.truncf %concatenate3A : vector<512x2xf32> to vector<512x2xbf16>
    %slice3A_26 = vector.extract_strided_slice %squeeze3A {offsets = [256, 0], sizes = [2, 256], strides = [1, 1]} : vector<258x256xbf16> to vector<2x256xbf16>
    %dot_general3A_27 = arith.constant dense<0.000000e+00> : vector<512x256xf32>
    %dot_general3A_28 = tpu.matmul %convert_element_type3A_25, %slice3A_26, %dot_general3A_27 {dimension_numbers = #tpu.dot_dimension_numbers<[1], [0], [0], [1], [0, 0, 1, 1], [], []>, transpose_lhs_hint = false} : vector<512x2xbf16>, vector<2x256xbf16>, vector<512x256xf32> -> vector<512x256xf32>
    %add3A_29 = arith.addf %dot_general3A_8, %dot_general3A_28 : vector<512x256xf32>
    %get3A_30 = arith.index_cast %get3A_0 : i32 to index
    %get3A_31 = arith.constant 0 : index
    %get3A_32 = arith.constant 0 : index
    %get3A_33 = vector.load %arg8[%get3A_30, %get3A_31, %get3A_32] : memref<8x1x256xf32, #tpu.memory_space<vmem>>, vector<1x1x256xf32>
    %squeeze3A_34 = vector.shape_cast %get3A_33 : vector<1x1x256xf32> to vector<1x256xf32>
    %add3A_35 = vector.broadcast %squeeze3A_34 : vector<1x256xf32> to vector<512x256xf32>
    %add3A_36 = arith.addf %add3A_29, %add3A_35 : vector<512x256xf32>
    %max3A = arith.constant 0.000000e+00 : f32
    %max3A_37 = vector.broadcast %max3A : f32 to vector<512x256xf32>
    %max3A_38 = arith.maximumf %add3A_36, %max3A_37 : vector<512x256xf32>
    %convert_element_type3A_39 = arith.truncf %max3A_38 : vector<512x256xf32> to vector<512x256xbf16>
    %get3A_40 = arith.index_cast %get3A_0 : i32 to index
    %get3A_41 = arith.constant 0 : index
    %get3A_42 = arith.constant 0 : index
    %get3A_43 = vector.load %arg9[%get3A_40, %get3A_41, %get3A_42] : memref<8x256x256xbf16, #tpu.memory_space<vmem>>, vector<1x256x256xbf16>
    %squeeze3A_44 = vector.shape_cast %get3A_43 : vector<1x256x256xbf16> to vector<256x256xbf16>
    %dot_general3A_45 = arith.constant dense<0.000000e+00> : vector<512x256xf32>
    %dot_general3A_46 = tpu.matmul %convert_element_type3A_39, %squeeze3A_44, %dot_general3A_45 {dimension_numbers = #tpu.dot_dimension_numbers<[1], [0], [0], [1], [0, 0, 1, 1], [], []>, transpose_lhs_hint = false} : vector<512x256xbf16>, vector<256x256xbf16>, vector<512x256xf32> -> vector<512x256xf32>
    %get3A_47 = arith.index_cast %get3A_0 : i32 to index
    %get3A_48 = arith.constant 0 : index
    %get3A_49 = arith.constant 0 : index
    %get3A_50 = vector.load %arg10[%get3A_47, %get3A_48, %get3A_49] : memref<8x1x256xf32, #tpu.memory_space<vmem>>, vector<1x1x256xf32>
    %squeeze3A_51 = vector.shape_cast %get3A_50 : vector<1x1x256xf32> to vector<1x256xf32>
    %add3A_52 = vector.broadcast %squeeze3A_51 : vector<1x256xf32> to vector<512x256xf32>
    %add3A_53 = arith.addf %dot_general3A_46, %add3A_52 : vector<512x256xf32>
    %max3A_54 = arith.constant 0.000000e+00 : f32
    %max3A_55 = vector.broadcast %max3A_54 : f32 to vector<512x256xf32>
    %max3A_56 = arith.maximumf %add3A_53, %max3A_55 : vector<512x256xf32>
    %convert_element_type3A_57 = arith.truncf %max3A_56 : vector<512x256xf32> to vector<512x256xbf16>
    %get3A_58 = arith.index_cast %get3A_0 : i32 to index
    %get3A_59 = arith.constant 0 : index
    %get3A_60 = arith.constant 0 : index
    %get3A_61 = vector.load %arg11[%get3A_58, %get3A_59, %get3A_60] : memref<8x256x256xbf16, #tpu.memory_space<vmem>>, vector<1x256x256xbf16>
    %squeeze3A_62 = vector.shape_cast %get3A_61 : vector<1x256x256xbf16> to vector<256x256xbf16>
    %dot_general3A_63 = arith.constant dense<0.000000e+00> : vector<512x256xf32>
    %dot_general3A_64 = tpu.matmul %convert_element_type3A_57, %squeeze3A_62, %dot_general3A_63 {dimension_numbers = #tpu.dot_dimension_numbers<[1], [0], [0], [1], [0, 0, 1, 1], [], []>, transpose_lhs_hint = false} : vector<512x256xbf16>, vector<256x256xbf16>, vector<512x256xf32> -> vector<512x256xf32>
    %get3A_65 = arith.index_cast %get3A_0 : i32 to index
    %get3A_66 = arith.constant 0 : index
    %get3A_67 = arith.constant 0 : index
    %get3A_68 = vector.load %arg12[%get3A_65, %get3A_66, %get3A_67] : memref<8x1x256xf32, #tpu.memory_space<vmem>>, vector<1x1x256xf32>
    %squeeze3A_69 = vector.shape_cast %get3A_68 : vector<1x1x256xf32> to vector<1x256xf32>
    %add3A_70 = vector.broadcast %squeeze3A_69 : vector<1x256xf32> to vector<512x256xf32>
    %add3A_71 = arith.addf %dot_general3A_64, %add3A_70 : vector<512x256xf32>
    %max3A_72 = arith.constant 0.000000e+00 : f32
    %max3A_73 = vector.broadcast %max3A_72 : f32 to vector<512x256xf32>
    %max3A_74 = arith.maximumf %add3A_71, %max3A_73 : vector<512x256xf32>
    %convert_element_type3A_75 = arith.truncf %max3A_74 : vector<512x256xf32> to vector<512x256xbf16>
    %get3A_76 = arith.index_cast %get3A_0 : i32 to index
    %get3A_77 = arith.constant 0 : index
    %get3A_78 = arith.constant 0 : index
    %get3A_79 = vector.load %arg13[%get3A_76, %get3A_77, %get3A_78] : memref<8x256x8xbf16, #tpu.memory_space<vmem>>, vector<1x256x8xbf16>
    %squeeze3A_80 = vector.shape_cast %get3A_79 : vector<1x256x8xbf16> to vector<256x8xbf16>
    %dot_general3A_81 = arith.constant dense<0.000000e+00> : vector<512x8xf32>
    %dot_general3A_82 = tpu.matmul %convert_element_type3A_75, %squeeze3A_80, %dot_general3A_81 {dimension_numbers = #tpu.dot_dimension_numbers<[1], [0], [0], [1], [0, 0, 1, 1], [], []>, transpose_lhs_hint = false} : vector<512x256xbf16>, vector<256x8xbf16>, vector<512x8xf32> -> vector<512x8xf32>
    %get3A_83 = arith.index_cast %get3A_0 : i32 to index
    %get3A_84 = arith.constant 0 : index
    %get3A_85 = arith.constant 0 : index
    %get3A_86 = vector.load %arg14[%get3A_83, %get3A_84, %get3A_85] : memref<8x1x8xf32, #tpu.memory_space<vmem>>, vector<1x1x8xf32>
    %squeeze3A_87 = vector.shape_cast %get3A_86 : vector<1x1x8xf32> to vector<1x8xf32>
    %add3A_88 = vector.broadcast %squeeze3A_87 : vector<1x8xf32> to vector<512x8xf32>
    %add3A_89 = arith.addf %dot_general3A_82, %add3A_88 : vector<512x8xf32>
    %get3A_90 = arith.constant 0 : index
    %get3A_91 = arith.constant 0 : index
    %get3A_92 = arith.constant 0 : index
    %get3A_93 = vector.load %arg5[%get3A_90, %get3A_91, %get3A_92] : memref<1x1x512xi32, #tpu.memory_space<vmem>>, vector<1x1x512xi32>
    %get3A_94 = vector.shape_cast %get3A_93 : vector<1x1x512xi32> to vector<512xi32>
    %get3A_95 = arith.constant 0 : index
    %get3A_96 = arith.constant 0 : index
    %get3A_97 = arith.constant 0 : index
    %get3A_98 = vector.load %arg6[%get3A_95, %get3A_96, %get3A_97] : memref<1x1x512xi32, #tpu.memory_space<vmem>>, vector<1x1x512xi32>
    %get3A_99 = vector.shape_cast %get3A_98 : vector<1x1x512xi32> to vector<512xi32>
    %min3A = arith.minsi %get3A_94, %get3A_99 : vector<512xi32>
    %and3A_100 = arith.constant 4095 : i32
    %and3A_101 = vector.broadcast %and3A_100 : i32 to vector<512xi32>
    %and3A_102 = arith.andi %min3A, %and3A_101 : vector<512xi32>
    %convert_element_type3A_103 = arith.sitofp %and3A_102 : vector<512xi32> to vector<512xf32>
    %mul3A = arith.constant 2.44200259E-4 : f32
    %mul3A_104 = vector.broadcast %mul3A : f32 to vector<512xf32>
    %mul3A_105 = arith.mulf %convert_element_type3A_103, %mul3A_104 : vector<512xf32>
    %broadcast_in_dim3A_106 = vector.shape_cast %mul3A_105 : vector<512xf32> to vector<512x1xf32>
    %mul3A_107 = vector.broadcast %broadcast_in_dim3A_106 : vector<512x1xf32> to vector<512x8xf32>
    %mul3A_108 = arith.mulf %add3A_89, %mul3A_107 : vector<512x8xf32>
    %transpose3A = tpu.transpose %mul3A_108, [1, 0] : vector<512x8xf32> -> vector<8x512xf32>
    %swap3A = arith.constant 0 : index
    %swap3A_109 = arith.constant 0 : index
    %swap3A_110 = vector.load %arg15[%swap3A, %swap3A_109] : memref<8x512xf32, #tpu.memory_space<vmem>>, vector<8x512xf32>
    tpu.vector_store %arg15[%swap3A, %swap3A_109], %transpose3A {strides = array<i32>} : memref<8x512xf32, #tpu.memory_space<vmem>>, vector<8x512xf32>,
    return
  }
  func.func @transform_0(%arg0: i32, %arg1: memref<1032xi32, #tpu.memory_space<smem>>) -> (i32, i32) {
    %c0_i32 = arith.constant 0 : i32
    %c0_i32_0 = arith.constant 0 : i32
    return %arg0, %c0_i32 : i32, i32
  }
  func.func @transform_1(%arg0: i32, %arg1: memref<1032xi32, #tpu.memory_space<smem>>) -> (i32, i32, i32) {
    %c0_i32 = arith.constant 0 : i32
    %c0_i32_0 = arith.constant 0 : i32
    %c0_i32_1 = arith.constant 0 : i32
    return %arg0, %c0_i32, %c0_i32_0 : i32, i32, i32
  }
  func.func @transform_2(%arg0: i32, %arg1: memref<1032xi32, #tpu.memory_space<smem>>) -> (i32, i32, i32) {
    %c0_i32 = arith.constant 0 : i32
    %c0_i32_0 = arith.constant 0 : i32
    %c0_i32_1 = arith.constant 0 : i32
    return %arg0, %c0_i32, %c0_i32_0 : i32, i32, i32
  }
  func.func @transform_3(%arg0: i32, %arg1: memref<1032xi32, #tpu.memory_space<smem>>) -> (i32, i32, i32) {
    %c0_i32 = arith.constant 0 : i32
    %c0_i32_0 = arith.constant 0 : i32
    %c0_i32_1 = arith.constant 0 : i32
    return %arg0, %c0_i32, %c0_i32_0 : i32, i32, i32
  }
  func.func @transform_4(%arg0: i32, %arg1: memref<1032xi32, #tpu.memory_space<smem>>) -> (i32, i32, i32) {
    %c0_i32 = arith.constant 0 : i32
    %c0_i32_0 = arith.constant 0 : i32
    %c0_i32_1 = arith.constant 0 : i32
    return %arg0, %c0_i32, %c0_i32_0 : i32, i32, i32
  }
  func.func @transform_5(%arg0: i32, %arg1: memref<1032xi32, #tpu.memory_space<smem>>) -> (i32, i32, i32) {
    %c0_i32 = arith.constant 0 : i32
    %c0_i32_0 = arith.constant 0 : i32
    %c0_i32_1 = arith.constant 0 : i32
    %c0_i32_2 = arith.constant 0 : i32
    return %c0_i32, %c0_i32_0, %c0_i32_1 : i32, i32, i32
  }
  func.func @transform_6(%arg0: i32, %arg1: memref<1032xi32, #tpu.memory_space<smem>>) -> (i32, i32, i32) {
    %c0_i32 = arith.constant 0 : i32
    %c0_i32_0 = arith.constant 0 : i32
    %c0_i32_1 = arith.constant 0 : i32
    %c0_i32_2 = arith.constant 0 : i32
    return %c0_i32, %c0_i32_0, %c0_i32_1 : i32, i32, i32
  }
  func.func @transform_7(%arg0: i32, %arg1: memref<1032xi32, #tpu.memory_space<smem>>) -> (i32, i32, i32) {
    %c0_i32 = arith.constant 0 : i32
    %c0_i32_0 = arith.constant 0 : i32
    %c0_i32_1 = arith.constant 0 : i32
    %c0_i32_2 = arith.constant 0 : i32
    return %c0_i32, %c0_i32_0, %c0_i32_1 : i32, i32, i32
  }
  func.func @transform_8(%arg0: i32, %arg1: memref<1032xi32, #tpu.memory_space<smem>>) -> (i32, i32, i32) {
    %c0_i32 = arith.constant 0 : i32
    %c0_i32_0 = arith.constant 0 : i32
    %c0_i32_1 = arith.constant 0 : i32
    %c0_i32_2 = arith.constant 0 : i32
    return %c0_i32, %c0_i32_0, %c0_i32_1 : i32, i32, i32
  }
  func.func @transform_9(%arg0: i32, %arg1: memref<1032xi32, #tpu.memory_space<smem>>) -> (i32, i32, i32) {
    %c0_i32 = arith.constant 0 : i32
    %c0_i32_0 = arith.constant 0 : i32
    %c0_i32_1 = arith.constant 0 : i32
    %c0_i32_2 = arith.constant 0 : i32
    return %c0_i32, %c0_i32_0, %c0_i32_1 : i32, i32, i32
  }
  func.func @transform_10(%arg0: i32, %arg1: memref<1032xi32, #tpu.memory_space<smem>>) -> (i32, i32, i32) {
    %c0_i32 = arith.constant 0 : i32
    %c0_i32_0 = arith.constant 0 : i32
    %c0_i32_1 = arith.constant 0 : i32
    %c0_i32_2 = arith.constant 0 : i32
    return %c0_i32, %c0_i32_0, %c0_i32_1 : i32, i32, i32
  }
  func.func @transform_11(%arg0: i32, %arg1: memref<1032xi32, #tpu.memory_space<smem>>) -> (i32, i32, i32) {
    %c0_i32 = arith.constant 0 : i32
    %c0_i32_0 = arith.constant 0 : i32
    %c0_i32_1 = arith.constant 0 : i32
    %c0_i32_2 = arith.constant 0 : i32
    return %c0_i32, %c0_i32_0, %c0_i32_1 : i32, i32, i32
  }
  func.func @transform_12(%arg0: i32, %arg1: memref<1032xi32, #tpu.memory_space<smem>>) -> (i32, i32, i32) {
    %c0_i32 = arith.constant 0 : i32
    %c0_i32_0 = arith.constant 0 : i32
    %c0_i32_1 = arith.constant 0 : i32
    %c0_i32_2 = arith.constant 0 : i32
    return %c0_i32, %c0_i32_0, %c0_i32_1 : i32, i32, i32
  }
  func.func @transform_13(%arg0: i32, %arg1: memref<1032xi32, #tpu.memory_space<smem>>) -> (i32, i32) {
    %c0_i32 = arith.constant 0 : i32
    %c0_i32_0 = arith.constant 0 : i32
    return %c0_i32, %arg0 : i32, i32
  }
}

</mosaic_0001>

<sc_bundles>
// kernel: kernel.11.cloned.1.call-start
scs
__scs_entry_jumppad:
0x0: {  	(pc) =	sbr.rel $0x88, $3  }
0x1: {  	(tag) =	ssettag $0x0;
	lr =	simm.s32 $0x1  }
0x2: {  	[smem:$0x3F96] =	sst lr;
	_ =	strace $0xD0000000  }
0x3: {  	_ = 	snop  }
0x4: {  	_ = 	snop  }
0x5: {  	_ = 	snop  }
0x6: {  	_ = 	snop  }
0x7: {  	_ = 	snop  }
__scs_overlays_trampoline_lowered:
0x8: {  	[smem:$0x3FA5] =	sst s0  }
0x9: {  	[smem:$0x3FA6] =	sst s1  }
0xa: {  	[smem:$0x3FA7] =	sst s2  }
0xb: {  	[smem:$0x3FA8] =	sst s3  }
0xc: {  	[smem:$0x3FA9] =	sst s4  }
0xd: {  	[smem:$0x3FAA] =	sst s5  }
0xe: {  	[smem:$0x3FAB] =	sst s6  }
0xf: {  	[smem:$0x3FAC] =	sst s7  }
0x10: {  	[smem:$0x3FAD] =	sst s8  }
0x11: {  	[smem:$0x3FAE] =	sst s9;
	s0 =	simm.s32 @!p0 $0x0  }
0x12: {  	s1 =	sld [smem:$0x3F94];
	s0 =	simm.s32 @p0 $0x1  }
0x13: {  	[smem:$0x3FAF] =	sst s0;
	s0 =	simm.s32 @!p1 $0x0  }
0x14: {  	s2 =	sld [smem:$0x3F93];
	s0 =	simm.s32 @p1 $0x1  }
0x15: {  	[smem:$0x3FB0] =	sst s0;
	s0 =	simm.s32 @!p2 $0x0  }
0x16: {  	s3 =	sld [smem:$0x3FDB];
	s0 =	simm.s32 @p2 $0x1  }
0x17: {  	s4 =	simm.s32 $0x1BF5;
	[smem:$0x3FB2] =	sst s0  }
0x18: {  	s0 =	sld [smem:$0x3F95];
	_ =	swait.ge [sflag:s4], $0x0  }
0x19: {  	s7 =	sld [smem:$0x3F96]  }
0x1a: {  	s8 =	sadd.s32 $0xFFFFE003, lr  }
0x1b: {  	s9 =	sadd.s32 $0xFFFFFEF7, lr;
	s5 =	simm.s32 $0xFFFFFFFF;
	p2 =	slt.u32 s8, $0xFFFFF086  }
0x1c: {  	p1 =	slt.u32 s9, $0xF7A;
	s5 =	simm.s32 @!p2 $0x0  }
0x1d: {  	s5 =	simm.s32 @p1 $0x1;
	p0 =	seq.s32 s7, s2  }
0x1e: {  	s7 =	smul.u32 @!p0 $0xF7A, s2;
	p2 =	seq.s32 @!p0 s5, $0x0  }
0x1f: {  	s9 =	smul.u32 $0xF7A, s1;
	s8 =	simm.s32 @!p0 $0x1BF5;
	p2 =	por !p2, p0  }
0x20: {  	[sflag:s8] =	ssyncset.s32 @!p0 $0xFFFFF086;
	s6 =	sadd.s32 @!p0 s3, s7;
	s7 =	simm.s32 @!p0 $0x108  }
0x21: {  	s3 =	sadd.s32 s3, s9;
	s6 =	sadd.s32 @!p0 $0x88, s6;
	s7 =	simm.s32 @p2 $0x1082  }
0x22: {  	[simem:s7], [sflag:s8] =	dma.local @!p0 [hbm:s6], $0xF7A  }
0x23: {  	s9 =	sor.u32 $0xD0000000, s2;
	s6 =	simm.s32 $0x108;
	_ =	swait.ge @!p0 [sflag:s8], $0x0  }
0x24: {  	s3 =	sadd.s32 $0x88, s3;
	s6 =	simm.s32 @!p1 $0x1082;
	[sflag:s4] =	ssyncset.s32 $0xFFFFF086  }
0x25: {  	[simem:s6], [sflag:s4] =	dma.local [hbm:s3], $0xF7A  }
0x26: {  	[smem:$0x3F96] =	sst s1;
	(tag) =	ssettag s2;
	_ =	strace s9  }
0x27: {  	s1 =	sld [smem:$0x3FA6]  }
0x28: {  	s2 =	sld [smem:$0x3FA7]  }
0x29: {  	s4 =	sld [smem:$0x3FA9]  }
0x2a: {  	p0 =	seq.s32 s5, $0x0;
	s5 =	sld [smem:$0x3FAA]  }
0x2b: {  	s6 =	sld [smem:$0x3FAB]  }
0x2c: {  	s7 =	sld [smem:$0x3FAC]  }
0x2d: {  	s3 =	simm.s32 $0x108;
	s8 =	sld [smem:$0x3FAD]  }
0x2e: {  	s3 =	simm.s32 @!p0 $0x1082;
	s9 =	sld [smem:$0x3FAE]  }
0x2f: {  	lr =	sadd.s32 s0, s3;
	s0 =	sld [smem:$0x3FA5]  }
0x30: {  	s3 =	sld [smem:$0x3FA8]  }
0x31: {  	[smem:$0x3FB1] =	sst s10  }
0x32: {  	s10 =	sld [smem:$0x3FAF];
	_ =	sdelay $0x3  }
0x33: {  	p0 =	seq.s32 s10, $0x1;
	s10 =	sld [smem:$0x3FB1];
	_ =	sdelay $0x3  }
0x34: {  	[smem:$0x3FB1] =	sst s10  }
0x35: {  	s10 =	sld [smem:$0x3FB0];
	_ =	sdelay $0x3  }
0x36: {  	p1 =	seq.s32 s10, $0x1;
	s10 =	sld [smem:$0x3FB1];
	_ =	sdelay $0x3  }
0x37: {  	[smem:$0x3FB1] =	sst s10  }
0x38: {  	s10 =	sld [smem:$0x3FB2]  }
0x39: {  	_ = 	snop;
	(pc) =	sbr.ind lr, $3  }
0x3a: {  	_ = 	snop  }
0x3b: {  	_ = 	snop  }
0x3c: {  	p2 =	seq.s32 s10, $0x1;
	s10 =	sld [smem:$0x3FB1]  }
0x3d: {  	_ =	shalt  }
0x3e: {  	_ =	shalt  }
0x3f: {  	_ =	shalt  }
0x40: {  	_ =	shalt  }
0x41: {  	_ =	shalt  }
0x42: {  	_ =	shalt  }
0x43: {  	_ =	shalt  }
0x44: {  	_ =	shalt  }
0x45: {  	_ =	shalt  }
0x46: {  	_ =	shalt  }
0x47: {  	_ =	shalt  }
0x48: {  	_ =	shalt  }
0x49: {  	_ =	shalt  }
0x4a: {  	_ =	shalt  }
0x4b: {  	_ =	shalt  }
0x4c: {  	_ =	shalt  }
0x4d: {  	_ =	shalt  }
0x4e: {  	_ =	shalt  }
0x4f: {  	_ =	shalt  }
0x50: {  	_ =	shalt  }
0x51: {  	_ =	shalt  }
0x52: {  	_ =	shalt  }
0x53: {  	_ =	shalt  }
0x54: {  	_ =	shalt  }
0x55: {  	_ =	shalt  }
0x56: {  	_ =	shalt  }
0x57: {  	_ =	shalt  }
0x58: {  	_ =	shalt  }
0x59: {  	_ =	shalt  }
0x5a: {  	_ =	shalt  }
0x5b: {  	_ =	shalt  }
0x5c: {  	_ =	shalt  }
0x5d: {  	_ =	shalt  }
0x5e: {  	_ =	shalt  }
0x5f: {  	_ =	shalt  }
0x60: {  	_ =	shalt  }
0x61: {  	_ =	shalt  }
0x62: {  	_ =	shalt  }
0x63: {  	_ =	shalt  }
0x64: {  	_ =	shalt  }
0x65: {  	_ =	shalt  }
0x66: {  	_ =	shalt  }
0x67: {  	_ =	shalt  }
0x68: {  	_ =	shalt  }
0x69: {  	_ =	shalt  }
0x6a: {  	_ =	shalt  }
0x6b: {  	_ =	shalt  }
0x6c: {  	_ =	shalt  }
0x6d: {  	_ =	shalt  }
0x6e: {  	_ =	shalt  }
0x6f: {  	_ =	shalt  }
0x70: {  	_ =	shalt  }
0x71: {  	_ =	shalt  }
0x72: {  	_ =	shalt  }
0x73: {  	_ =	shalt  }
0x74: {  	_ =	shalt  }
0x75: {  	_ =	shalt  }
0x76: {  	_ =	shalt  }
0x77: {  	_ =	shalt  }
0x78: {  	_ =	shalt  }
0x79: {  	_ =	shalt  }
0x7a: {  	_ =	shalt  }
0x7b: {  	_ =	shalt  }
0x7c: {  	_ =	shalt  }
0x7d: {  	_ =	shalt  }
0x7e: {  	_ =	shalt  }
0x7f: {  	_ =	shalt  }
0x80: {  	_ =	shalt  }
0x81: {  	_ =	shalt  }
0x82: {  	_ =	shalt  }
0x83: {  	_ =	shalt  }
0x84: {  	_ =	shalt  }
0x85: {  	_ =	shalt  }
0x86: {  	_ =	shalt  }
0x87: {  	_ =	shalt  }
.Lfunc_end0:
.L_simem_size_0:
called_computation.1_lowered:
.L_overlay_start_0:
0x88: {  	s2 =	sld [smem:$0x3FD9]  }
0x89: {  	s3 =	sld [smem:$0x3FFE];
	_ =	sdelay $0x1  }
0x8a: {  	s1 =	srdreg.scid  }
0x8b: {  	s0 =	sand.u32 $0x1, s1  }
0x8c: {  	s17 =	sshll.u32 s0, $0xA;
	s2 =	sadd.s32 s3, s2  }
0x8d: {  	s2 =	sadd.s32 s2, s17  }
0x8e: {  	[smem:$0x3FBD] =	sst s2  }
0x8f: {  	_ = 	snop  }
0x90: {  	s18 =	sld [smem:$0x3FD0];
	(tm) =	ssettm $0x1  }
0x91: {  	s19 =	sld [smem:$0x3FFB];
	_ =	sdelay $0x3  }
0x92: {  	_ =	strace s19  }
0x93: {  	s2 =	sld [smem:$0x3FFC];
	_ =	sdelay $0x3  }
0x94: {  	_ =	strace s2  }
0x95: {  	s2 =	sld [smem:$0x3FFD];
	_ =	sdelay $0x3  }
0x96: {  	_ =	strace s2  }
0x97: {  	_ =	strace $0x8FFFFFFF  }
0x98: {  	s20 =	sld [smem:$0x3FDB];
	_ =	sdelay $0x1  }
0x99: {  	s4 =	simm.s32 $_scs_section_size  }
0x9a: {  	s5 =	simm.s32 $_size__tile_overlayer_lowered;
	s6 =	simm.s32 $_tile_overlayer_lowered  }
0x9b: {  	s7 =	simm.s32 $0x1BFF;
	s21 =	sshll.u32 s6, $0x1;
	s4 =	sadd.s32 s4, s20  }
0x9c: {  	s22 =	simm.s32 $0x0;
	s5 =	sshll.u32 s5, $0x1;
	s6 =	sadd.s32 s21, s4  }
0x9d: {  	[timem:s22], [sflag:s7] =	dma.local [hbm:s6], s5  }
0x9e: {  	_ =	swait.ge [sflag:s7], s5  }
0x9f: {  	s5 =	ssub.s32 $0x0, s5;
	[sflag:s7] =	ssyncset.done $0x0  }
0xa0: {  	[sflag:s7] =	ssyncadd.s32 s5;
	_ =	sdelay $0x1  }
0xa1: {  	s23 =	simm.s32 $0x1B8B  }
0xa2: {  	_ =	swait.ge [sflag:s23], $0x1  }
0xa3: {  	[sflag:s23] =	ssyncset.done $0x0  }
0xa4: {  	[sflag:s23] =	ssyncadd.s32 $0xFFFFFFFF  }
0xa5: {  	s5 =	sld [smem:$0x0]  }
0xa6: {  	s6 =	sand.u32 $0xFFFFFFFE, s1  }
0xa7: {  	p0 =	sne.s32 s1, s6  }
0xa8: {  	s6 =	sshll.u32 @p0 s6, $0xE  }
0xa9: {  	s6 =	sadd.s32 @p0 $0x11B8D, s6;
	s7 =	sshll.u32 @p0 s5, $0x11  }
0xaa: {  	s6 =	sor.u32 @p0 s7, s6  }
0xab: {  	[sflag:s6] =	ssyncadd.remote.s32 @p0 $0x1;
	_ =	sdelay $0x1  }
0xac: {  	s6 =	simm.s32 @p0 $0x1B8D  }
0xad: {  	_ =	swait.eq @p0 [sflag:s6], $0x1  }
0xae: {  	[sflag:s6] =	ssyncadd.s32 @p0 $0xFFFFFFFF  }
0xaf: {  	s7 =	sshll.u32 @!p0 s1, $0xE  }
0xb0: {  	s7 =	sor.u32 @!p0 $0x4000, s7;
	s6 =	simm.s32 @!p0 $0x1B8D  }
0xb1: {  	s5 =	sshll.u32 @!p0 s5, $0x11;
	s7 =	sadd.s32 @!p0 $0x11B8D, s7;
	_ =	swait.eq @!p0 [sflag:s6], $0x1  }
0xb2: {  	s5 =	sor.u32 @!p0 s5, s7;
	[sflag:s6] =	ssyncadd.s32 @!p0 $0xFFFFFFFF  }
0xb3: {  	s25 =	simm.s32 $0x1B8E;
	s24 =	sld [smem:$0x3FFE];
	[sflag:s5] =	ssyncadd.remote.s32 @!p0 $0x1  }
0xb4: {  	s26 =	simm.s32 $execute0_lowered;
	[smem:$0x3FD2] =	sst s25  }
0xb5: {  	s6 =	sshll.u32 s26, $0x1;
	_ =	strace $0x80000049;
	[dreg:$0x1] =	wrdreg $0xFFFFFFFF  }
0xb6: {  	s28 =	simm.s32 $_size_execute0_lowered;
	s4 =	sadd.s32 s4, s6;
	[dreg:$0x0] =	wrdreg $0x0  }
0xb7: {  	s6 =	sshll.u32 s28, $0x1;
	[dreg:$0x2] =	wrdreg s4  }
0xb8: {  	[dreg:$0x3] =	wrdreg s6  }
0xb9: {  	[dreg:$0x4] =	wrdreg $0xC0  }
0xba: {  	_ =	task [dreg:s22], $0x5FFFF  }
0xbb: {  	[dreg:$0x1] =	wrdreg $0xFFFFFFFF  }
0xbc: {  	[dreg:$0x0] =	wrdreg $0x60  }
0xbd: {  	[dreg:$0x2] =	wrdreg s24  }
0xbe: {  	[dreg:$0x3] =	wrdreg s18  }
0xbf: {  	[dreg:$0x4] =	wrdreg $0x3000  }
0xc0: {  	[dreg:$0x5] =	wrdreg $0xA  }
0xc1: {  	_ =	task.clear_ibuf [dreg:s22], $0x6FFFF;
	_ =	strace $0x90000049  }
0xc2: {  	s29 =	simm.s32 $0xA;
	_ =	strace $0x8000004B  }
0xc3: {  	_ =	swait.ge [sflag:s29], $0x1  }
0xc4: {  	[sflag:s29] =	ssyncadd.s32 $0xFFFFFFFF  }
0xc5: {  	_ =	strace $0x9000004B  }
0xc6: {  	_ =	sfence  }
0xc7: {  	s30 =	sld [smem:$0x0];
	_ =	sdelay $0x2  }
0xc8: {  	s31 =	sshll.u32 s1, $0xD;
	s1 =	sshrl.u32 s1, $0x2  }
0xc9: {  	s4 =	sand.u32 $0x4000, s31;
	s1 =	sadd.s32 s1, s30  }
0xca: {  	s0 =	sor.u32 s4, s0;
	s1 =	sshll.u32 s1, $0x11  }
0xcb: {  	s0 =	sor.u32 s1, s0  }
0xcc: {  	s0 =	sadd.s32 $0x8F2B, s0  }
0xcd: {  	[sflag:s0] =	ssyncadd.remote.s32 $0x1  }
0xce: {  	_ =	sfence.sel $0xFFFF  }
0xcf: {  	[dreg:$0x0] =	wrdreg $0xFFFFFFFF;
	(pc) =	sbr.abs _section_cstart, $3  }
0xd0: {  	[dreg:$0x1] =	wrdreg $0xFFFFFFFF  }
0xd1: {  	_ =	task.clear_ibuf [dreg:s22], $0x2FFFF;
	_ =	strace $0x9FFFFFFF  }
0xd2: {  	(tm) =	ssettm $0x7FFFFFFF  }
0xd3: {  	_ =	shalt  }
tec
execute0_lowered:
.L_overlay_start_1:
0x0: {  	(tag) =	ssettag $0x1  }
0x1: {  	s4 =	rddreg [dreg:$0x0]  }
0x2: {  	s6 =	rddreg [dreg:$0x1]  }
0x3: {  	s2 =	rddreg [dreg:$0x2]  }
0x4: {  	s0 =	rddreg [dreg:$0x3]  }
0x5: {  	s3 =	simm.s32 $0x0;
	s1 =	stileid.u32;
	s5 =	srdreg.scid  }
0x6: {  	s13 =	simm.s32 $0x100;
	s14 =	simm.s32 $0x200;
	s15 =	simm.s32 $0x0  }
0x7: {  	[smem:$0x7FF] =	sst s3;
	s7 =	smul.u32 $0x8100, s1;
	s5 =	sand.u32 $0x1, s5  }
0x8: {  	s8 =	sshll.u32 s1, $0xB;
	s29 =	sshll.u32 s1, $0x6;
	_ =	strace $0x8000004A  }
0x9: {  	s9 =	ssub.s32 $0x2, s5;
	s12 =	smul.u32 $0x81000, s5;
	s8 =	sadd.s32 s8, s4  }
0xa: {  	s30 =	sshll.u32 s5, $0xA;
	s5 =	sor.u32 $0x1C01, s29;
	s10 =	sshrl.u32 s7, $0x3  }
0xb: {  	s11 =	sshrl.u32 s9, $0x1;
	s28 =	sadd.s32 s7, s2;
	s31 =	sadd.s32 s30, s8  }
0xc: {  	s4 =	sadd.s32 s10, s4;
	s9 =	ssub.s32 s9, s11;
	s7 =	sadd.s32 s7, s12  }
0xd: {  	s8 =	sadd.s32 $0x3400, s31;
	s10 =	sadd.s32 $0x1B600, s31;
	s11 =	sshrl.u32 s28, $0x3  }
0xe: {  	s12 =	simm.s32 $0x1;
	s4 =	sadd.s32 $0x5BC00, s4;
	s7 =	sshrl.u32 s7, $0x3  }
0xf: {  	s6 =	sadd.s32 s6, s7;
	s7 =	smax.u32 s9, $0x1;
	s9 =	sadd.s32 $0x23600, s31  }
.LBB2_1:
0x10: {  	[spmem:s11], [sflag:s5] =	dma.local [hbm:s4], $0x1020  }
0x11: {  	_ =	swait.ge [sflag:s12], $0x1020  }
0x12: {  	[sflag:s12] =	ssyncset.done $0x0  }
0x13: {  	[sflag:s12] =	ssyncadd.s32 $0xFFFFEFE0  }
0x14: {  	s16 =	sadd.s32 $0x0, s10;
	[bflag:$0x0] =	sbarrier.arrive $0xFFFF  }
0x15: {  	[tilespmem:s3], [sflag:$0x1] =	stream.linear.gather [hbm4b:s16+s3], $0x100, $0x38;
	[tilespmem:$0x8400] =	vst v63  }
0x16: {  	_ =	swait.ge [sflag:s12], $0x100  }
0x17: {  	[sflag:s12] =	ssyncset.done $0x0  }
0x18: {  	s30 =	sadd.s32 $0x0, s9;
	[sflag:s12] =	ssyncadd.s32 $0xFFFFFF00  }
0x19: {  	[tilespmem:s13], [sflag:$0x1] =	stream.linear.gather [hbm4b:s30+s3], $0x100, $0x38;
	[tilespmem:$0x8400] =	vst v63  }
0x1a: {  	_ =	swait.ge [sflag:s12], $0x100  }
0x1b: {  	[sflag:s12] =	ssyncset.done $0x0  }
0x1c: {  	s31 =	sadd.s32 $0x0, s8;
	[sflag:s12] =	ssyncadd.s32 $0xFFFFFF00  }
0x1d: {  	[tilespmem:s14], [sflag:$0x1] =	stream.linear.gather [hbm4b:s31+s3], $0x100, $0x38;
	[tilespmem:$0x8400] =	vst v63  }
0x1e: {  	_ =	swait.ge [sflag:s12], $0x100  }
0x1f: {  	[sflag:s12] =	ssyncset.done $0x0  }
0x20: {  	[sflag:s12] =	ssyncadd.s32 $0xFFFFFF00  }
0x21: {  	[spmem:s2] =	stream.indirect.scatter [tilespmem:s14], [sflag:$0x1], $0x1, s3, s13, $0xb8;
	[tilespmem:$0x8400] =	vst v63  }
0x22: {  	_ =	swait.ge [sflag:s12], $0x100  }
0x23: {  	[sflag:s12] =	ssyncset.done $0x0  }
0x24: {  	[sflag:s12] =	ssyncadd.s32 $0xFFFFFF00  }
0x25: {  	[spmem:s2] =	stream.indirect.scatter [tilespmem:s14], [sflag:$0x1], $0x1, s13, s13, $0xb8;
	[tilespmem:$0x8400] =	vst v63  }
0x26: {  	_ =	swait.ge [sflag:s12], $0x100  }
0x27: {  	s17 =	simm.s32 $0x40;
	s16 =	simm.s32 $0x20;
	[sflag:s12] =	ssyncset.done $0x0  }
.LBB2_2:
0x28: {  	s18 =	sadd.s32 s16, s10  }
0x29: {  	[sflag:s12] =	ssyncadd.s32 $0xFFFFFF00;
	s19 =	smov.u32 s17;
	s20 =	sadd.s32 $0x20, s17  }
0x2a: {  	[tilespmem:s3], [sflag:$0x1] =	stream.linear.gather [hbm4b:s18+s3], $0x100, $0x38;
	[tilespmem:$0x8400] =	vst v63  }
0x2b: {  	p0 =	sne.s32 s17, $0x3E0;
	_ =	swait.ge [sflag:s12], $0x100  }
0x2c: {  	[sflag:s12] =	ssyncset.done $0x0  }
0x2d: {  	s17 =	sadd.s32 s16, s9;
	[sflag:s12] =	ssyncadd.s32 $0xFFFFFF00  }
0x2e: {  	[tilespmem:s13], [sflag:$0x1] =	stream.linear.gather [hbm4b:s17+s3], $0x100, $0x38;
	[tilespmem:$0x8400] =	vst v63  }
0x2f: {  	_ =	swait.ge [sflag:s12], $0x100  }
0x30: {  	[sflag:s12] =	ssyncset.done $0x0  }
0x31: {  	s17 =	sadd.s32 s16, s8;
	s16 =	smov.u32 s19;
	[sflag:s12] =	ssyncadd.s32 $0xFFFFFF00  }
0x32: {  	[tilespmem:s14], [sflag:$0x1] =	stream.linear.gather [hbm4b:s17+s3], $0x100, $0x38;
	[tilespmem:$0x8400] =	vst v63  }
0x33: {  	_ =	swait.ge [sflag:s12], $0x100  }
0x34: {  	[sflag:s12] =	ssyncset.done $0x0  }
0x35: {  	[sflag:s12] =	ssyncadd.s32 $0xFFFFFF00  }
0x36: {  	[spmem:s2] =	stream.indirect.scatter [tilespmem:s14], [sflag:$0x1], $0x1, s3, s13, $0xb8;
	[tilespmem:$0x8400] =	vst v63  }
0x37: {  	_ =	swait.ge [sflag:s12], $0x100  }
.Ltmp0:
0x38: {  	[sflag:s12] =	ssyncset.done $0x0;
	(pc) =	sbr.rel @p0 .LBB2_2-.Ltmp0, $4  }
0x39: {  	[sflag:s12] =	ssyncadd.s32 $0xFFFFFF00  }
0x3a: {  	[spmem:s2] =	stream.indirect.scatter [tilespmem:s14], [sflag:$0x1], $0x1, s13, s13, $0xb8;
	[tilespmem:$0x8400] =	vst v63  }
0x3b: {  	_ =	swait.ge [sflag:s12], $0x100  }
0x3c: {  	s17 =	smov.u32 s20;
	[sflag:s12] =	ssyncset.done $0x0  }
0x3d: {  	s17 =	sadd.s32 s16, s10;
	[sflag:s12] =	ssyncadd.s32 $0xFFFFFF00  }
0x3e: {  	[tilespmem:s3], [sflag:$0x1] =	stream.linear.gather [hbm4b:s17+s3], $0x100, $0x38;
	[tilespmem:$0x8400] =	vst v63  }
0x3f: {  	_ =	swait.ge [sflag:s12], $0x100  }
0x40: {  	[sflag:s12] =	ssyncset.done $0x0  }
0x41: {  	s30 =	sadd.s32 s16, s9;
	[sflag:s12] =	ssyncadd.s32 $0xFFFFFF00  }
0x42: {  	[tilespmem:s13], [sflag:$0x1] =	stream.linear.gather [hbm4b:s30+s3], $0x100, $0x38;
	[tilespmem:$0x8400] =	vst v63  }
0x43: {  	_ =	swait.ge [sflag:s12], $0x100  }
0x44: {  	[sflag:s12] =	ssyncset.done $0x0  }
0x45: {  	s31 =	sadd.s32 s16, s8;
	[sflag:s12] =	ssyncadd.s32 $0xFFFFFF00  }
0x46: {  	[tilespmem:s14], [sflag:$0x1] =	stream.linear.gather [hbm4b:s31+s3], $0x100, $0x38;
	[tilespmem:$0x8400] =	vst v63  }
0x47: {  	_ =	swait.ge [sflag:s12], $0x100  }
0x48: {  	[sflag:s12] =	ssyncset.done $0x0  }
0x49: {  	[sflag:s12] =	ssyncadd.s32 $0xFFFFFF00  }
0x4a: {  	[spmem:s2] =	stream.indirect.scatter [tilespmem:s14], [sflag:$0x1], $0x1, s3, s13, $0xb8;
	[tilespmem:$0x8400] =	vst v63  }
0x4b: {  	_ =	swait.ge [sflag:s12], $0x100  }
0x4c: {  	[sflag:s12] =	ssyncset.done $0x0  }
0x4d: {  	[sflag:s12] =	ssyncadd.s32 $0xFFFFFF00  }
0x4e: {  	[spmem:s2] =	stream.indirect.scatter [tilespmem:s14], [sflag:$0x1], $0x1, s13, s13, $0xb8;
	[tilespmem:$0x8400] =	vst v63  }
0x4f: {  	_ =	swait.ge [sflag:s12], $0x100  }
0x50: {  	s15 =	sadd.s32 $0x1, s15;
	[sflag:s12] =	ssyncset.done $0x0  }
0x51: {  	p0 =	sne.s32 s15, s7;
	[sflag:s12] =	ssyncadd.s32 $0xFFFFFF00  }
.Ltmp1:
0x52: {  	[bflag:$0x0] =	sbarrier.arrive $0xFFFF;
	(pc) =	sbr.rel @p0 .LBB2_1-.Ltmp1, $4  }
0x53: {  	[hbm:s6], [sflag:s5] =	dma.local [spmem:s11], $0x1020  }
0x54: {  	_ =	swait.ge [sflag:s12], $0x1020  }
0x55: {  	[sflag:s12] =	ssyncset.done $0x0  }
0x56: {  	[sflag:s12] =	ssyncadd.s32 $0xFFFFEFE0  }
0x57: {  	_ =	sfence.sel $0x180000  }
0x58: {  	[bflag:$0x0] =	sbarrier.arrive $0xFFFF  }
0x59: {  	p0 =	sne.s32 s1, $0x0;
	_ =	strace $0x9000004A  }
0x5a: {  	s0 =	sadd.s32 @!p0 $0x100000, s0;
	[bflag:$0x2] =	sbarrier.arrive $0xFFFF  }
0x5b: {  	[sflag:s0] =	ssyncadd.tile.s32 @!p0 $0x1;
	_ =	shalt  }
.Lfunc_end2:
_tile_overlayer_lowered:
.L_overlay_start_2:
0x5c: {  	(tag) =	ssettag $0x2  }
0x5d: {  	s0 =	rddreg [dreg:$0x0];
	s2 =	stileid.u32  }
0x5e: {  	s1 =	rddreg [dreg:$0x1];
	p0 =	sne.s32 s2, $0x0  }
0x5f: {  	s3 =	rddreg [dreg:$0x2];
	[bflag:$0x3] =	sbarrier.arrive $0xFFFF;
	s2 =	simm.s32 @!p0 $0x1C01  }
0x60: {  	[timem:s3], [sflag:s2] =	dma.local @!p0 [hbm:s0], s1  }
0x61: {  	s0 =	simm.s32 @!p0 $0x1  }
0x62: {  	_ =	swait.ge @!p0 [sflag:s0], s1  }
0x63: {  	s1 =	ssub.s32 @!p0 $0x0, s1;
	[sflag:s0] =	ssyncset.done @!p0 $0x0  }
0x64: {  	[sflag:s0] =	ssyncadd.s32 @!p0 s1  }
0x65: {  	[bflag:$0x3] =	sbarrier.arrive $0xFFFF  }
0x66: {  	_ =	shalt  }

// kernel: kernel.14.cloned.1.call-start
scs
__scs_entry_jumppad:
0x0: {  	(pc) =	sbr.rel $0x88, $3  }
0x1: {  	(tag) =	ssettag $0x0;
	lr =	simm.s32 $0x1  }
0x2: {  	[smem:$0x3F96] =	sst lr;
	_ =	strace $0xD0000000  }
0x3: {  	_ = 	snop  }
0x4: {  	_ = 	snop  }
0x5: {  	_ = 	snop  }
0x6: {  	_ = 	snop  }
0x7: {  	_ = 	snop  }
__scs_overlays_trampoline_lowered:
0x8: {  	[smem:$0x3FA5] =	sst s0  }
0x9: {  	[smem:$0x3FA6] =	sst s1  }
0xa: {  	[smem:$0x3FA7] =	sst s2  }
0xb: {  	[smem:$0x3FA8] =	sst s3  }
0xc: {  	[smem:$0x3FA9] =	sst s4  }
0xd: {  	[smem:$0x3FAA] =	sst s5  }
0xe: {  	[smem:$0x3FAB] =	sst s6  }
0xf: {  	[smem:$0x3FAC] =	sst s7  }
0x10: {  	[smem:$0x3FAD] =	sst s8  }
0x11: {  	[smem:$0x3FAE] =	sst s9;
	s0 =	simm.s32 @!p0 $0x0  }
0x12: {  	s1 =	sld [smem:$0x3F94];
	s0 =	simm.s32 @p0 $0x1  }
0x13: {  	[smem:$0x3FAF] =	sst s0;
	s0 =	simm.s32 @!p1 $0x0  }
0x14: {  	s2 =	sld [smem:$0x3F93];
	s0 =	simm.s32 @p1 $0x1  }
0x15: {  	[smem:$0x3FB0] =	sst s0;
	s0 =	simm.s32 @!p2 $0x0  }
0x16: {  	s3 =	sld [smem:$0x3FDB];
	s0 =	simm.s32 @p2 $0x1  }
0x17: {  	s4 =	simm.s32 $0x1BF5;
	[smem:$0x3FB2] =	sst s0  }
0x18: {  	s0 =	sld [smem:$0x3F95];
	_ =	swait.ge [sflag:s4], $0x0  }
0x19: {  	s7 =	sld [smem:$0x3F96]  }
0x1a: {  	s8 =	sadd.s32 $0xFFFFE003, lr  }
0x1b: {  	s9 =	sadd.s32 $0xFFFFFEF7, lr;
	s5 =	simm.s32 $0xFFFFFFFF;
	p2 =	slt.u32 s8, $0xFFFFF086  }
0x1c: {  	p1 =	slt.u32 s9, $0xF7A;
	s5 =	simm.s32 @!p2 $0x0  }
0x1d: {  	s5 =	simm.s32 @p1 $0x1;
	p0 =	seq.s32 s7, s2  }
0x1e: {  	s7 =	smul.u32 @!p0 $0xF7A, s2;
	p2 =	seq.s32 @!p0 s5, $0x0  }
0x1f: {  	s9 =	smul.u32 $0xF7A, s1;
	s8 =	simm.s32 @!p0 $0x1BF5;
	p2 =	por !p2, p0  }
0x20: {  	[sflag:s8] =	ssyncset.s32 @!p0 $0xFFFFF086;
	s6 =	sadd.s32 @!p0 s3, s7;
	s7 =	simm.s32 @!p0 $0x108  }
0x21: {  	s3 =	sadd.s32 s3, s9;
	s6 =	sadd.s32 @!p0 $0x88, s6;
	s7 =	simm.s32 @p2 $0x1082  }
0x22: {  	[simem:s7], [sflag:s8] =	dma.local @!p0 [hbm:s6], $0xF7A  }
0x23: {  	s9 =	sor.u32 $0xD0000000, s2;
	s6 =	simm.s32 $0x108;
	_ =	swait.ge @!p0 [sflag:s8], $0x0  }
0x24: {  	s3 =	sadd.s32 $0x88, s3;
	s6 =	simm.s32 @!p1 $0x1082;
	[sflag:s4] =	ssyncset.s32 $0xFFFFF086  }
0x25: {  	[simem:s6], [sflag:s4] =	dma.local [hbm:s3], $0xF7A  }
0x26: {  	[smem:$0x3F96] =	sst s1;
	(tag) =	ssettag s2;
	_ =	strace s9  }
0x27: {  	s1 =	sld [smem:$0x3FA6]  }
0x28: {  	s2 =	sld [smem:$0x3FA7]  }
0x29: {  	s4 =	sld [smem:$0x3FA9]  }
0x2a: {  	p0 =	seq.s32 s5, $0x0;
	s5 =	sld [smem:$0x3FAA]  }
0x2b: {  	s6 =	sld [smem:$0x3FAB]  }
0x2c: {  	s7 =	sld [smem:$0x3FAC]  }
0x2d: {  	s3 =	simm.s32 $0x108;
	s8 =	sld [smem:$0x3FAD]  }
0x2e: {  	s3 =	simm.s32 @!p0 $0x1082;
	s9 =	sld [smem:$0x3FAE]  }
0x2f: {  	lr =	sadd.s32 s0, s3;
	s0 =	sld [smem:$0x3FA5]  }
0x30: {  	s3 =	sld [smem:$0x3FA8]  }
0x31: {  	[smem:$0x3FB1] =	sst s10  }
0x32: {  	s10 =	sld [smem:$0x3FAF];
	_ =	sdelay $0x3  }
0x33: {  	p0 =	seq.s32 s10, $0x1;
	s10 =	sld [smem:$0x3FB1];
	_ =	sdelay $0x3  }
0x34: {  	[smem:$0x3FB1] =	sst s10  }
0x35: {  	s10 =	sld [smem:$0x3FB0];
	_ =	sdelay $0x3  }
0x36: {  	p1 =	seq.s32 s10, $0x1;
	s10 =	sld [smem:$0x3FB1];
	_ =	sdelay $0x3  }
0x37: {  	[smem:$0x3FB1] =	sst s10  }
0x38: {  	s10 =	sld [smem:$0x3FB2]  }
0x39: {  	_ = 	snop;
	(pc) =	sbr.ind lr, $3  }
0x3a: {  	_ = 	snop  }
0x3b: {  	_ = 	snop  }
0x3c: {  	p2 =	seq.s32 s10, $0x1;
	s10 =	sld [smem:$0x3FB1]  }
0x3d: {  	_ =	shalt  }
0x3e: {  	_ =	shalt  }
0x3f: {  	_ =	shalt  }
0x40: {  	_ =	shalt  }
0x41: {  	_ =	shalt  }
0x42: {  	_ =	shalt  }
0x43: {  	_ =	shalt  }
0x44: {  	_ =	shalt  }
0x45: {  	_ =	shalt  }
0x46: {  	_ =	shalt  }
0x47: {  	_ =	shalt  }
0x48: {  	_ =	shalt  }
0x49: {  	_ =	shalt  }
0x4a: {  	_ =	shalt  }
0x4b: {  	_ =	shalt  }
0x4c: {  	_ =	shalt  }
0x4d: {  	_ =	shalt  }
0x4e: {  	_ =	shalt  }
0x4f: {  	_ =	shalt  }
0x50: {  	_ =	shalt  }
0x51: {  	_ =	shalt  }
0x52: {  	_ =	shalt  }
0x53: {  	_ =	shalt  }
0x54: {  	_ =	shalt  }
0x55: {  	_ =	shalt  }
0x56: {  	_ =	shalt  }
0x57: {  	_ =	shalt  }
0x58: {  	_ =	shalt  }
0x59: {  	_ =	shalt  }
0x5a: {  	_ =	shalt  }
0x5b: {  	_ =	shalt  }
0x5c: {  	_ =	shalt  }
0x5d: {  	_ =	shalt  }
0x5e: {  	_ =	shalt  }
0x5f: {  	_ =	shalt  }
0x60: {  	_ =	shalt  }
0x61: {  	_ =	shalt  }
0x62: {  	_ =	shalt  }
0x63: {  	_ =	shalt  }
0x64: {  	_ =	shalt  }
0x65: {  	_ =	shalt  }
0x66: {  	_ =	shalt  }
0x67: {  	_ =	shalt  }
0x68: {  	_ =	shalt  }
0x69: {  	_ =	shalt  }
0x6a: {  	_ =	shalt  }
0x6b: {  	_ =	shalt  }
0x6c: {  	_ =	shalt  }
0x6d: {  	_ =	shalt  }
0x6e: {  	_ =	shalt  }
0x6f: {  	_ =	shalt  }
0x70: {  	_ =	shalt  }
0x71: {  	_ =	shalt  }
0x72: {  	_ =	shalt  }
0x73: {  	_ =	shalt  }
0x74: {  	_ =	shalt  }
0x75: {  	_ =	shalt  }
0x76: {  	_ =	shalt  }
0x77: {  	_ =	shalt  }
0x78: {  	_ =	shalt  }
0x79: {  	_ =	shalt  }
0x7a: {  	_ =	shalt  }
0x7b: {  	_ =	shalt  }
0x7c: {  	_ =	shalt  }
0x7d: {  	_ =	shalt  }
0x7e: {  	_ =	shalt  }
0x7f: {  	_ =	shalt  }
0x80: {  	_ =	shalt  }
0x81: {  	_ =	shalt  }
0x82: {  	_ =	shalt  }
0x83: {  	_ =	shalt  }
0x84: {  	_ =	shalt  }
0x85: {  	_ =	shalt  }
0x86: {  	_ =	shalt  }
0x87: {  	_ =	shalt  }
.Lfunc_end0:
.L_simem_size_0:
called_computation.2_lowered:
.L_overlay_start_0:
0x88: {  	s2 =	sld [smem:$0x3FD9]  }
0x89: {  	s3 =	sld [smem:$0x3FFE];
	_ =	sdelay $0x1  }
0x8a: {  	s1 =	srdreg.scid  }
0x8b: {  	s0 =	sand.u32 $0x1, s1  }
0x8c: {  	s17 =	sshll.u32 s0, $0xA;
	s2 =	sadd.s32 s3, s2  }
0x8d: {  	s2 =	sadd.s32 s2, s17  }
0x8e: {  	[smem:$0x3FBD] =	sst s2  }
0x8f: {  	_ = 	snop  }
0x90: {  	s2 =	sld [smem:$0x3FD0];
	(tm) =	ssettm $0x1  }
0x91: {  	s18 =	sld [smem:$0x3FFB];
	_ =	sdelay $0x3  }
0x92: {  	_ =	strace s18  }
0x93: {  	s3 =	sld [smem:$0x3FFC];
	_ =	sdelay $0x3  }
0x94: {  	_ =	strace s3  }
0x95: {  	s3 =	sld [smem:$0x3FFD];
	_ =	sdelay $0x3  }
0x96: {  	_ =	strace s3  }
0x97: {  	_ =	strace $0x8FFFFFFF  }
0x98: {  	s19 =	sld [smem:$0x3FDB];
	_ =	sdelay $0x1  }
0x99: {  	s4 =	simm.s32 $_scs_section_size  }
0x9a: {  	s5 =	simm.s32 $_size__tile_overlayer_lowered;
	s6 =	simm.s32 $_tile_overlayer_lowered  }
0x9b: {  	s22 =	simm.s32 $0x1BFF;
	s21 =	sshll.u32 s6, $0x1;
	s3 =	sadd.s32 s4, s19  }
0x9c: {  	s7 =	simm.s32 $0x0;
	s20 =	sshll.u32 s5, $0x1;
	s5 =	sadd.s32 s21, s3  }
0x9d: {  	[timem:s7], [sflag:s22] =	dma.local [hbm:s5], s20  }
0x9e: {  	_ =	swait.ge [sflag:s22], s20  }
0x9f: {  	s4 =	ssub.s32 $0x0, s20;
	[sflag:s22] =	ssyncset.done $0x0  }
0xa0: {  	[sflag:s22] =	ssyncadd.s32 s4;
	_ =	sdelay $0x1  }
0xa1: {  	s23 =	simm.s32 $0x1B8B  }
0xa2: {  	_ =	swait.ge [sflag:s23], $0x1  }
0xa3: {  	[sflag:s23] =	ssyncset.done $0x0  }
0xa4: {  	s25 =	simm.s32 $0x1B8E;
	s24 =	sld [smem:$0x3FFE];
	[sflag:s23] =	ssyncadd.s32 $0xFFFFFFFF  }
0xa5: {  	s26 =	simm.s32 $execute0_lowered;
	[smem:$0x3FD2] =	sst s25  }
0xa6: {  	s5 =	sshll.u32 s26, $0x1;
	_ =	strace $0x8000004C;
	[dreg:$0x1] =	wrdreg $0xFFFFFFFF  }
0xa7: {  	s28 =	simm.s32 $_size_execute0_lowered;
	s3 =	sadd.s32 s3, s5;
	[dreg:$0x0] =	wrdreg $0x0  }
0xa8: {  	s5 =	sshll.u32 s28, $0x1;
	[dreg:$0x2] =	wrdreg s3  }
0xa9: {  	[dreg:$0x3] =	wrdreg s5  }
0xaa: {  	[dreg:$0x4] =	wrdreg $0xC0  }
0xab: {  	_ =	task [dreg:s7], $0x5FFFF  }
0xac: {  	[dreg:$0x1] =	wrdreg $0xFFFFFFFF  }
0xad: {  	[dreg:$0x0] =	wrdreg $0x60  }
0xae: {  	[dreg:$0x2] =	wrdreg s24  }
0xaf: {  	[dreg:$0x3] =	wrdreg s2  }
0xb0: {  	[dreg:$0x4] =	wrdreg $0x6B800  }
0xb1: {  	[dreg:$0x5] =	wrdreg $0x9  }
0xb2: {  	_ =	task.clear_ibuf [dreg:s7], $0x6FFFF;
	_ =	strace $0x9000004C  }
0xb3: {  	s29 =	simm.s32 $0x9;
	_ =	strace $0x8000004E  }
0xb4: {  	_ =	swait.ge [sflag:s29], $0x1  }
0xb5: {  	[sflag:s29] =	ssyncadd.s32 $0xFFFFFFFF  }
0xb6: {  	_ =	strace $0x9000004E  }
0xb7: {  	_ =	sfence  }
0xb8: {  	s30 =	sld [smem:$0x0];
	_ =	sdelay $0x2  }
0xb9: {  	s31 =	sshll.u32 s1, $0xD;
	s1 =	sshrl.u32 s1, $0x2  }
0xba: {  	s3 =	sand.u32 $0x4000, s31;
	s1 =	sadd.s32 s1, s30  }
0xbb: {  	s0 =	sor.u32 s3, s0;
	s1 =	sshll.u32 s1, $0x11  }
0xbc: {  	s0 =	sor.u32 s1, s0  }
0xbd: {  	s0 =	sadd.s32 $0x8F2B, s0  }
0xbe: {  	[sflag:s0] =	ssyncadd.remote.s32 $0x1  }
0xbf: {  	_ =	sfence.sel $0xFFFF  }
0xc0: {  	[dreg:$0x0] =	wrdreg $0xFFFFFFFF;
	(pc) =	sbr.abs _section_cstart, $3  }
0xc1: {  	[dreg:$0x1] =	wrdreg $0xFFFFFFFF  }
0xc2: {  	_ =	task.clear_ibuf [dreg:s7], $0x2FFFF;
	_ =	strace $0x9FFFFFFF  }
0xc3: {  	(tm) =	ssettm $0x7FFFFFFF  }
tec
execute0_lowered:
.L_overlay_start_1:
0x0: {  	(tag) =	ssettag $0x1  }
0x1: {  	s6 =	rddreg [dreg:$0x0]  }
0x2: {  	s9 =	rddreg [dreg:$0x1]  }
0x3: {  	s2 =	rddreg [dreg:$0x2]  }
0x4: {  	s0 =	rddreg [dreg:$0x3]  }
0x5: {  	s3 =	simm.s32 $0x0;
	s1 =	stileid.u32;
	s4 =	srdreg.scid  }
0x6: {  	s15 =	simm.s32 $0x4080;
	[smem:$0x7FF] =	sst s3;
	s7 =	smul.u32 $0xA080, s1  }
0x7: {  	s10 =	sand.u32 $0x1, s4;
	s4 =	sadd.s32 $0xDCC00, s6;
	s5 =	sadd.s32 $0x3B800, s6  }
0x8: {  	s30 =	sshll.u32 s1, $0x6;
	_ =	strace $0x8000004D;
	s13 =	smul.u32 $0xA0800, s10  }
0x9: {  	s8 =	ssub.s32 $0x2, s10;
	s31 =	smul.u32 $0xFFF60000, s10;
	s11 =	sshrl.u32 s7, $0x3  }
0xa: {  	s12 =	sshrl.u32 s8, $0x1;
	s28 =	sadd.s32 s7, s2;
	s6 =	sadd.s32 s11, s6  }
0xb: {  	s26 =	ssub.s32 s8, s12;
	s29 =	sadd.s32 s7, s13;
	s7 =	smul.u32 $0x8100, s1  }
0xc: {  	s8 =	sor.u32 $0x1C01, s30;
	s11 =	sshrl.u32 s28, $0x3;
	s12 =	simm.s32 $0x1  }
0xd: {  	s13 =	simm.s32 $0x1580;
	s6 =	sadd.s32 $0x3400, s6;
	s14 =	sshrl.u32 s29, $0x3  }
0xe: {  	v0 =	vmov s31;
	s10 =	smax.u32 s26, $0x1;
	s9 =	sadd.s32 s9, s14;
	s14 =	simm.s32 $0x5600  }
.LBB2_1:
0xf: {  	[spmem:s11], [sflag:s8] =	dma.local [hbm:s6], $0x1410  }
0x10: {  	_ =	swait.ge [sflag:s12], $0x1410  }
0x11: {  	[sflag:s12] =	ssyncset.done $0x0  }
0x12: {  	[sflag:s12] =	ssyncadd.s32 $0xFFFFEBF0  }
0x13: {  	s16 =	simm.s32 $0x0;
	[bflag:$0x0] =	sbarrier.arrive $0xFFFF  }
.LBB2_2:
0x14: {  	s17 =	smul.u32 $0x1580, s16;
	_ =	sdelay $0x1  }
0x15: {  	s17 =	sadd.s32 s7, s17  }
0x16: {  	s17 =	sshrl.u32 s17, $0x3  }
0x17: {  	s19 =	simm.s32 $0x0;
	s18 =	sadd.s32 s5, s17  }
0x18: {  	[tilespmem:s19], [sflag:$0x1] =	stream.linear.gather [hbm4b:s18+s19], $0x1580, $0x38;
	[tilespmem:$0x10C00] =	vst v63  }
0x19: {  	_ =	swait.ge [sflag:s12], $0x1580  }
0x1a: {  	s18 =	sadd.s32 $0x10200, s17;
	[sflag:s12] =	ssyncset.done $0x0  }
0x1b: {  	s20 =	sadd.s32 s5, s18;
	[sflag:s12] =	ssyncadd.s32 $0xFFFFEA80  }
0x1c: {  	[tilespmem:s13], [sflag:$0x1] =	stream.linear.gather [hbm4b:s20+s19], $0x1580, $0x38;
	[tilespmem:$0x10C00] =	vst v63  }
0x1d: {  	_ =	swait.ge [sflag:s12], $0x1580  }
0x1e: {  	[sflag:s12] =	ssyncset.done $0x0  }
0x1f: {  	s19 =	simm.s32 $0x0;
	[sflag:s12] =	ssyncadd.s32 $0xFFFFEA80  }
0x20: {  	v1 =	vld [tilespmem:s19+$0x0]  }
0x21: {  	v2 =	vld [tilespmem:s19+$0x1580];
	_ =	sdelay $0x4  }
0x22: {  	s20 =	simm.s32 $0x10;
	vm0 =	vlt.s32 v1, v2  }
0x23: {  	v2 =	vsel vm0, v1, v2;
	v1 =	vld [tilespmem:s20+$0x0]  }
0x24: {  	v3 =	vshra.s32 v2, $0xC;
	v2 =	vld [tilespmem:s20+$0x1580];
	_ =	sdelay $0x1  }
0x25: {  	s21 =	simm.s32 $0x80;
	v3 =	vmul.u32 $0x5, v3  }
.LBB2_3:
0x26: {  	p0 =	sne.s32 s21, $0x55C0  }
.Ltmp0:
0x27: {  	s22 =	sshra.s32 s21, $0x2;
	v3 =	vadd.s32 v0, v3;
	v4 =	vmov v1;
	(pc) =	sbr.rel @p0 .LBB2_3-.Ltmp0, $4  }
0x28: {  	s21 =	sadd.s32 $0x40, s21;
	v1 =	vld [tilespmem:s22+$0x0];
	vm0 =	vlt.s32 v4, v2;
	v3 =	vmin.u32 v3, $0xA0000  }
0x29: {  	v4 =	vsel vm0, v4, v2;
	v2 =	vld [tilespmem:s22+$0x1580];
	[tilespmem:s19+$0x2B00] =	vst v3;
	s19 =	smov.u32 s20;
	s20 =	smov.u32 s22  }
0x2a: {  	v3 =	vshra.s32 v4, $0xC  }
0x2b: {  	v3 =	vmul.u32 $0x5, v3  }
0x2c: {  	_ =	sdelay $0x1  }
0x2d: {  	vm0 =	vlt.s32 v1, v2  }
0x2e: {  	v1 =	vsel vm0, v1, v2  }
0x2f: {  	v1 =	vshra.s32 v1, $0xC  }
0x30: {  	v1 =	vmul.u32 $0x5, v1  }
0x31: {  	v2 =	vadd.s32 v0, v3  }
0x32: {  	v2 =	vmin.u32 v2, $0xA0000;
	v1 =	vadd.s32 v0, v1  }
0x33: {  	[tilespmem:s19+$0x2B00] =	vst v2;
	v1 =	vmin.u32 v1, $0xA0000  }
0x34: {  	s17 =	sadd.s32 s4, s17;
	s31 =	simm.s32 $0x0;
	[tilespmem:s20+$0x2B00] =	vst v1  }
0x35: {  	[tilespmem:s14], [sflag:$0x1] =	stream.linear.gather [hbm4b:s17+s31], $0x1580, $0x38;
	[tilespmem:$0x10C00] =	vst v63  }
0x36: {  	_ =	swait.ge [sflag:s12], $0x1580  }
0x37: {  	[sflag:s12] =	ssyncset.done $0x0  }
0x38: {  	s19 =	simm.s32 $0x0;
	[sflag:s12] =	ssyncadd.s32 $0xFFFFEA80  }
0x39: {  	s20 =	simm.s32 $0x40;
	v1 =	vld [tilespmem:s19+$0x2B00]  }
.LBB2_5:
0x3a: {  	p0 =	sne.s32 s20, $0x55C0  }
.Ltmp1:
0x3b: {  	_ = 	snop;
	(pc) =	sbr.rel @p0 .LBB2_5-.Ltmp1, $3  }
0x3c: {  	_ =	sdelay $0x1  }
0x3d: {  	[tilespmem:s19+$0x4080] =	vst v1;
	s19 =	sshra.s32 s20, $0x2;
	s20 =	sadd.s32 $0x40, s20  }
0x3e: {  	v1 =	vld [tilespmem:s19+$0x2B00]  }
0x3f: {  	_ =	sdelay $0x3  }
0x40: {  	[tilespmem:s19+$0x4080] =	vst v1  }
0x41: {  	[spmem:s2] =	stream.indirect.scatter.add.f32 [tilespmem:s14], [sflag:$0x1], $0x1, s15, s13, $0xb8;
	[tilespmem:$0x10C00] =	vst v63  }
0x42: {  	_ =	swait.ge [sflag:s12], $0x1580  }
0x43: {  	[sflag:s12] =	ssyncset.done $0x0  }
0x44: {  	s18 =	sadd.s32 s4, s18;
	s31 =	simm.s32 $0x0;
	[sflag:s12] =	ssyncadd.s32 $0xFFFFEA80  }
0x45: {  	[tilespmem:s14], [sflag:$0x1] =	stream.linear.gather [hbm4b:s18+s31], $0x1580, $0x38;
	[tilespmem:$0x10C00] =	vst v63  }
0x46: {  	_ =	swait.ge [sflag:s12], $0x1580  }
0x47: {  	[sflag:s12] =	ssyncset.done $0x0  }
0x48: {  	s18 =	simm.s32 $0x0;
	[sflag:s12] =	ssyncadd.s32 $0xFFFFEA80  }
0x49: {  	s19 =	simm.s32 $0x40;
	v1 =	vld [tilespmem:s18+$0x2B00]  }
.LBB2_7:
0x4a: {  	p0 =	sne.s32 s19, $0x55C0  }
.Ltmp2:
0x4b: {  	_ = 	snop;
	(pc) =	sbr.rel @p0 .LBB2_7-.Ltmp2, $3  }
0x4c: {  	_ =	sdelay $0x1  }
0x4d: {  	s20 =	sshra.s32 s19, $0x2;
	s19 =	sadd.s32 $0x40, s19;
	v2 =	vadd.s32 $0x1, v1  }
0x4e: {  	v1 =	vld [tilespmem:s20+$0x2B00];
	[tilespmem:s18+$0x4080] =	vst v2;
	s18 =	smov.u32 s20  }
0x4f: {  	_ =	sdelay $0x3  }
0x50: {  	v1 =	vadd.s32 $0x1, v1  }
0x51: {  	[tilespmem:s18+$0x4080] =	vst v1  }
0x52: {  	[spmem:s2] =	stream.indirect.scatter.add.f32 [tilespmem:s14], [sflag:$0x1], $0x1, s15, s13, $0xb8;
	[tilespmem:$0x10C00] =	vst v63  }
0x53: {  	_ =	swait.ge [sflag:s12], $0x1580  }
0x54: {  	[sflag:s12] =	ssyncset.done $0x0  }
0x55: {  	s31 =	sadd.s32 $0x20400, s17;
	s19 =	simm.s32 $0x0;
	[sflag:s12] =	ssyncadd.s32 $0xFFFFEA80  }
0x56: {  	[tilespmem:s14], [sflag:$0x1] =	stream.linear.gather [hbm4b:s31+s19], $0x1580, $0x38;
	[tilespmem:$0x10C00] =	vst v63  }
0x57: {  	_ =	swait.ge [sflag:s12], $0x1580  }
0x58: {  	[sflag:s12] =	ssyncset.done $0x0  }
0x59: {  	s18 =	simm.s32 $0x0;
	[sflag:s12] =	ssyncadd.s32 $0xFFFFEA80  }
0x5a: {  	s19 =	simm.s32 $0x40;
	v1 =	vld [tilespmem:s18+$0x2B00]  }
.LBB2_9:
0x5b: {  	p0 =	sne.s32 s19, $0x55C0  }
.Ltmp3:
0x5c: {  	_ = 	snop;
	(pc) =	sbr.rel @p0 .LBB2_9-.Ltmp3, $3  }
0x5d: {  	_ =	sdelay $0x1  }
0x5e: {  	s20 =	sshra.s32 s19, $0x2;
	s19 =	sadd.s32 $0x40, s19;
	v2 =	vadd.s32 $0x2, v1  }
0x5f: {  	v1 =	vld [tilespmem:s20+$0x2B00];
	[tilespmem:s18+$0x4080] =	vst v2;
	s18 =	smov.u32 s20  }
0x60: {  	_ =	sdelay $0x3  }
0x61: {  	v1 =	vadd.s32 $0x2, v1  }
0x62: {  	[tilespmem:s18+$0x4080] =	vst v1  }
0x63: {  	[spmem:s2] =	stream.indirect.scatter.add.f32 [tilespmem:s14], [sflag:$0x1], $0x1, s15, s13, $0xb8;
	[tilespmem:$0x10C00] =	vst v63  }
0x64: {  	_ =	swait.ge [sflag:s12], $0x1580  }
0x65: {  	[sflag:s12] =	ssyncset.done $0x0  }
0x66: {  	s31 =	sadd.s32 $0x30600, s17;
	s19 =	simm.s32 $0x0;
	[sflag:s12] =	ssyncadd.s32 $0xFFFFEA80  }
0x67: {  	[tilespmem:s14], [sflag:$0x1] =	stream.linear.gather [hbm4b:s31+s19], $0x1580, $0x38;
	[tilespmem:$0x10C00] =	vst v63  }
0x68: {  	_ =	swait.ge [sflag:s12], $0x1580  }
0x69: {  	[sflag:s12] =	ssyncset.done $0x0  }
0x6a: {  	s18 =	simm.s32 $0x0;
	[sflag:s12] =	ssyncadd.s32 $0xFFFFEA80  }
0x6b: {  	s19 =	simm.s32 $0x40;
	v1 =	vld [tilespmem:s18+$0x2B00]  }
.LBB2_11:
0x6c: {  	p0 =	sne.s32 s19, $0x55C0  }
.Ltmp4:
0x6d: {  	_ = 	snop;
	(pc) =	sbr.rel @p0 .LBB2_11-.Ltmp4, $3  }
0x6e: {  	_ =	sdelay $0x1  }
0x6f: {  	s20 =	sshra.s32 s19, $0x2;
	s19 =	sadd.s32 $0x40, s19;
	v2 =	vadd.s32 $0x3, v1  }
0x70: {  	v1 =	vld [tilespmem:s20+$0x2B00];
	[tilespmem:s18+$0x4080] =	vst v2;
	s18 =	smov.u32 s20  }
0x71: {  	_ =	sdelay $0x3  }
0x72: {  	v1 =	vadd.s32 $0x3, v1  }
0x73: {  	[tilespmem:s18+$0x4080] =	vst v1  }
0x74: {  	[spmem:s2] =	stream.indirect.scatter.add.f32 [tilespmem:s14], [sflag:$0x1], $0x1, s15, s13, $0xb8;
	[tilespmem:$0x10C00] =	vst v63  }
0x75: {  	_ =	swait.ge [sflag:s12], $0x1580  }
0x76: {  	[sflag:s12] =	ssyncset.done $0x0  }
0x77: {  	s17 =	sadd.s32 $0x40800, s17;
	s31 =	simm.s32 $0x0;
	[sflag:s12] =	ssyncadd.s32 $0xFFFFEA80  }
0x78: {  	[tilespmem:s14], [sflag:$0x1] =	stream.linear.gather [hbm4b:s17+s31], $0x1580, $0x38;
	[tilespmem:$0x10C00] =	vst v63  }
0x79: {  	_ =	swait.ge [sflag:s12], $0x1580  }
0x7a: {  	[sflag:s12] =	ssyncset.done $0x0  }
0x7b: {  	s17 =	simm.s32 $0x0;
	[sflag:s12] =	ssyncadd.s32 $0xFFFFEA80  }
0x7c: {  	s18 =	simm.s32 $0x40;
	v1 =	vld [tilespmem:s17+$0x2B00]  }
.LBB2_13:
0x7d: {  	p0 =	sne.s32 s18, $0x55C0  }
.Ltmp5:
0x7e: {  	_ = 	snop;
	(pc) =	sbr.rel @p0 .LBB2_13-.Ltmp5, $3  }
0x7f: {  	_ =	sdelay $0x1  }
0x80: {  	s19 =	sshra.s32 s18, $0x2;
	s18 =	sadd.s32 $0x40, s18;
	v2 =	vadd.s32 $0x4, v1  }
0x81: {  	v1 =	vld [tilespmem:s19+$0x2B00];
	[tilespmem:s17+$0x4080] =	vst v2;
	s17 =	smov.u32 s19  }
0x82: {  	_ =	sdelay $0x2  }
0x83: {  	s16 =	sadd.s32 $0x1, s16  }
0x84: {  	p0 =	sne.s32 s16, $0x6;
	v1 =	vadd.s32 $0x4, v1  }
.Ltmp6:
0x85: {  	[tilespmem:s17+$0x4080] =	vst v1;
	(pc) =	sbr.rel @p0 .LBB2_2-.Ltmp6, $4  }
0x86: {  	[spmem:s2] =	stream.indirect.scatter.add.f32 [tilespmem:s14], [sflag:$0x1], $0x1, s15, s13, $0xb8;
	[tilespmem:$0x10C00] =	vst v63  }
0x87: {  	_ =	swait.ge [sflag:s12], $0x1580  }
0x88: {  	[sflag:s12] =	ssyncset.done $0x0  }
0x89: {  	[sflag:s12] =	ssyncadd.s32 $0xFFFFEA80  }
0x8a: {  	s3 =	sadd.s32 $0x1, s3  }
0x8b: {  	p0 =	sne.s32 s3, s10  }
.Ltmp7:
0x8c: {  	[bflag:$0x0] =	sbarrier.arrive $0xFFFF;
	(pc) =	sbr.rel @p0 .LBB2_1-.Ltmp7, $4  }
0x8d: {  	[hbm:s9], [sflag:s8] =	dma.local [spmem:s11], $0x1410  }
0x8e: {  	_ =	swait.ge [sflag:s12], $0x1410  }
0x8f: {  	[sflag:s12] =	ssyncset.done $0x0  }
0x90: {  	[sflag:s12] =	ssyncadd.s32 $0xFFFFEBF0  }
0x91: {  	_ =	sfence.sel $0x180000  }
0x92: {  	[bflag:$0x0] =	sbarrier.arrive $0xFFFF  }
0x93: {  	p0 =	sne.s32 s1, $0x0;
	_ =	strace $0x9000004D  }
0x94: {  	s0 =	sadd.s32 @!p0 $0x100000, s0;
	[bflag:$0x2] =	sbarrier.arrive $0xFFFF  }
0x95: {  	[sflag:s0] =	ssyncadd.tile.s32 @!p0 $0x1;
	_ =	shalt  }
.Lfunc_end2:
_tile_overlayer_lowered:
.L_overlay_start_2:
0x96: {  	(tag) =	ssettag $0x2  }
0x97: {  	s0 =	rddreg [dreg:$0x0];
	s2 =	stileid.u32  }
0x98: {  	s1 =	rddreg [dreg:$0x1];
	p0 =	sne.s32 s2, $0x0  }
0x99: {  	s3 =	rddreg [dreg:$0x2];
	[bflag:$0x3] =	sbarrier.arrive $0xFFFF;
	s2 =	simm.s32 @!p0 $0x1C01  }
0x9a: {  	[timem:s3], [sflag:s2] =	dma.local @!p0 [hbm:s0], s1  }
0x9b: {  	s0 =	simm.s32 @!p0 $0x1  }
0x9c: {  	_ =	swait.ge @!p0 [sflag:s0], s1  }
0x9d: {  	s1 =	ssub.s32 @!p0 $0x0, s1;
	[sflag:s0] =	ssyncset.done @!p0 $0x0  }
0x9e: {  	[sflag:s0] =	ssyncadd.s32 @!p0 s1  }
0x9f: {  	[bflag:$0x3] =	sbarrier.arrive $0xFFFF  }
0xa0: {  	_ =	shalt  }

// kernel: kernel.8.cloned.1.call-start
scs
__scs_entry_jumppad:
0x0: {  	(pc) =	sbr.rel $0x88, $3  }
0x1: {  	(tag) =	ssettag $0x0;
	lr =	simm.s32 $0x1  }
0x2: {  	[smem:$0x3F96] =	sst lr;
	_ =	strace $0xD0000000  }
0x3: {  	_ = 	snop  }
0x4: {  	_ = 	snop  }
0x5: {  	_ = 	snop  }
0x6: {  	_ = 	snop  }
0x7: {  	_ = 	snop  }
__scs_overlays_trampoline_lowered:
0x8: {  	[smem:$0x3FA5] =	sst s0  }
0x9: {  	[smem:$0x3FA6] =	sst s1  }
0xa: {  	[smem:$0x3FA7] =	sst s2  }
0xb: {  	[smem:$0x3FA8] =	sst s3  }
0xc: {  	[smem:$0x3FA9] =	sst s4  }
0xd: {  	[smem:$0x3FAA] =	sst s5  }
0xe: {  	[smem:$0x3FAB] =	sst s6  }
0xf: {  	[smem:$0x3FAC] =	sst s7  }
0x10: {  	[smem:$0x3FAD] =	sst s8  }
0x11: {  	[smem:$0x3FAE] =	sst s9;
	s0 =	simm.s32 @!p0 $0x0  }
0x12: {  	s1 =	sld [smem:$0x3F94];
	s0 =	simm.s32 @p0 $0x1  }
0x13: {  	[smem:$0x3FAF] =	sst s0;
	s0 =	simm.s32 @!p1 $0x0  }
0x14: {  	s2 =	sld [smem:$0x3F93];
	s0 =	simm.s32 @p1 $0x1  }
0x15: {  	[smem:$0x3FB0] =	sst s0;
	s0 =	simm.s32 @!p2 $0x0  }
0x16: {  	s3 =	sld [smem:$0x3FDB];
	s0 =	simm.s32 @p2 $0x1  }
0x17: {  	s4 =	simm.s32 $0x1BF5;
	[smem:$0x3FB2] =	sst s0  }
0x18: {  	s0 =	sld [smem:$0x3F95];
	_ =	swait.ge [sflag:s4], $0x0  }
0x19: {  	s7 =	sld [smem:$0x3F96]  }
0x1a: {  	s8 =	sadd.s32 $0xFFFFE003, lr  }
0x1b: {  	s9 =	sadd.s32 $0xFFFFFEF7, lr;
	s5 =	simm.s32 $0xFFFFFFFF;
	p2 =	slt.u32 s8, $0xFFFFF086  }
0x1c: {  	p1 =	slt.u32 s9, $0xF7A;
	s5 =	simm.s32 @!p2 $0x0  }
0x1d: {  	s5 =	simm.s32 @p1 $0x1;
	p0 =	seq.s32 s7, s2  }
0x1e: {  	s7 =	smul.u32 @!p0 $0xF7A, s2;
	p2 =	seq.s32 @!p0 s5, $0x0  }
0x1f: {  	s9 =	smul.u32 $0xF7A, s1;
	s8 =	simm.s32 @!p0 $0x1BF5;
	p2 =	por !p2, p0  }
0x20: {  	[sflag:s8] =	ssyncset.s32 @!p0 $0xFFFFF086;
	s6 =	sadd.s32 @!p0 s3, s7;
	s7 =	simm.s32 @!p0 $0x108  }
0x21: {  	s3 =	sadd.s32 s3, s9;
	s6 =	sadd.s32 @!p0 $0x88, s6;
	s7 =	simm.s32 @p2 $0x1082  }
0x22: {  	[simem:s7], [sflag:s8] =	dma.local @!p0 [hbm:s6], $0xF7A  }
0x23: {  	s9 =	sor.u32 $0xD0000000, s2;
	s6 =	simm.s32 $0x108;
	_ =	swait.ge @!p0 [sflag:s8], $0x0  }
0x24: {  	s3 =	sadd.s32 $0x88, s3;
	s6 =	simm.s32 @!p1 $0x1082;
	[sflag:s4] =	ssyncset.s32 $0xFFFFF086  }
0x25: {  	[simem:s6], [sflag:s4] =	dma.local [hbm:s3], $0xF7A  }
0x26: {  	[smem:$0x3F96] =	sst s1;
	(tag) =	ssettag s2;
	_ =	strace s9  }
0x27: {  	s1 =	sld [smem:$0x3FA6]  }
0x28: {  	s2 =	sld [smem:$0x3FA7]  }
0x29: {  	s4 =	sld [smem:$0x3FA9]  }
0x2a: {  	p0 =	seq.s32 s5, $0x0;
	s5 =	sld [smem:$0x3FAA]  }
0x2b: {  	s6 =	sld [smem:$0x3FAB]  }
0x2c: {  	s7 =	sld [smem:$0x3FAC]  }
0x2d: {  	s3 =	simm.s32 $0x108;
	s8 =	sld [smem:$0x3FAD]  }
0x2e: {  	s3 =	simm.s32 @!p0 $0x1082;
	s9 =	sld [smem:$0x3FAE]  }
0x2f: {  	lr =	sadd.s32 s0, s3;
	s0 =	sld [smem:$0x3FA5]  }
0x30: {  	s3 =	sld [smem:$0x3FA8]  }
0x31: {  	[smem:$0x3FB1] =	sst s10  }
0x32: {  	s10 =	sld [smem:$0x3FAF];
	_ =	sdelay $0x3  }
0x33: {  	p0 =	seq.s32 s10, $0x1;
	s10 =	sld [smem:$0x3FB1];
	_ =	sdelay $0x3  }
0x34: {  	[smem:$0x3FB1] =	sst s10  }
0x35: {  	s10 =	sld [smem:$0x3FB0];
	_ =	sdelay $0x3  }
0x36: {  	p1 =	seq.s32 s10, $0x1;
	s10 =	sld [smem:$0x3FB1];
	_ =	sdelay $0x3  }
0x37: {  	[smem:$0x3FB1] =	sst s10  }
0x38: {  	s10 =	sld [smem:$0x3FB2]  }
0x39: {  	_ = 	snop;
	(pc) =	sbr.ind lr, $3  }
0x3a: {  	_ = 	snop  }
0x3b: {  	_ = 	snop  }
0x3c: {  	p2 =	seq.s32 s10, $0x1;
	s10 =	sld [smem:$0x3FB1]  }
0x3d: {  	_ =	shalt  }
0x3e: {  	_ =	shalt  }
0x3f: {  	_ =	shalt  }
0x40: {  	_ =	shalt  }
0x41: {  	_ =	shalt  }
0x42: {  	_ =	shalt  }
0x43: {  	_ =	shalt  }
0x44: {  	_ =	shalt  }
0x45: {  	_ =	shalt  }
0x46: {  	_ =	shalt  }
0x47: {  	_ =	shalt  }
0x48: {  	_ =	shalt  }
0x49: {  	_ =	shalt  }
0x4a: {  	_ =	shalt  }
0x4b: {  	_ =	shalt  }
0x4c: {  	_ =	shalt  }
0x4d: {  	_ =	shalt  }
0x4e: {  	_ =	shalt  }
0x4f: {  	_ =	shalt  }
0x50: {  	_ =	shalt  }
0x51: {  	_ =	shalt  }
0x52: {  	_ =	shalt  }
0x53: {  	_ =	shalt  }
0x54: {  	_ =	shalt  }
0x55: {  	_ =	shalt  }
0x56: {  	_ =	shalt  }
0x57: {  	_ =	shalt  }
0x58: {  	_ =	shalt  }
0x59: {  	_ =	shalt  }
0x5a: {  	_ =	shalt  }
0x5b: {  	_ =	shalt  }
0x5c: {  	_ =	shalt  }
0x5d: {  	_ =	shalt  }
0x5e: {  	_ =	shalt  }
0x5f: {  	_ =	shalt  }
0x60: {  	_ =	shalt  }
0x61: {  	_ =	shalt  }
0x62: {  	_ =	shalt  }
0x63: {  	_ =	shalt  }
0x64: {  	_ =	shalt  }
0x65: {  	_ =	shalt  }
0x66: {  	_ =	shalt  }
0x67: {  	_ =	shalt  }
0x68: {  	_ =	shalt  }
0x69: {  	_ =	shalt  }
0x6a: {  	_ =	shalt  }
0x6b: {  	_ =	shalt  }
0x6c: {  	_ =	shalt  }
0x6d: {  	_ =	shalt  }
0x6e: {  	_ =	shalt  }
0x6f: {  	_ =	shalt  }
0x70: {  	_ =	shalt  }
0x71: {  	_ =	shalt  }
0x72: {  	_ =	shalt  }
0x73: {  	_ =	shalt  }
0x74: {  	_ =	shalt  }
0x75: {  	_ =	shalt  }
0x76: {  	_ =	shalt  }
0x77: {  	_ =	shalt  }
0x78: {  	_ =	shalt  }
0x79: {  	_ =	shalt  }
0x7a: {  	_ =	shalt  }
0x7b: {  	_ =	shalt  }
0x7c: {  	_ =	shalt  }
0x7d: {  	_ =	shalt  }
0x7e: {  	_ =	shalt  }
0x7f: {  	_ =	shalt  }
0x80: {  	_ =	shalt  }
0x81: {  	_ =	shalt  }
0x82: {  	_ =	shalt  }
0x83: {  	_ =	shalt  }
0x84: {  	_ =	shalt  }
0x85: {  	_ =	shalt  }
0x86: {  	_ =	shalt  }
0x87: {  	_ =	shalt  }
.Lfunc_end0:
.L_simem_size_0:
called_computation_lowered:
.L_overlay_start_0:
0x88: {  	s2 =	sld [smem:$0x3FD9]  }
0x89: {  	s3 =	sld [smem:$0x3FFE];
	_ =	sdelay $0x1  }
0x8a: {  	s1 =	srdreg.scid  }
0x8b: {  	s0 =	sand.u32 $0x1, s1  }
0x8c: {  	s16 =	sshll.u32 s0, $0xA;
	s2 =	sadd.s32 s3, s2  }
0x8d: {  	s2 =	sadd.s32 s2, s16  }
0x8e: {  	[smem:$0x3FBD] =	sst s2  }
0x8f: {  	_ = 	snop  }
0x90: {  	(tm) =	ssettm $0x1  }
0x91: {  	s17 =	sld [smem:$0x3FFB];
	_ =	sdelay $0x3  }
0x92: {  	_ =	strace s17  }
0x93: {  	s2 =	sld [smem:$0x3FFC];
	_ =	sdelay $0x3  }
0x94: {  	_ =	strace s2  }
0x95: {  	s2 =	sld [smem:$0x3FFD];
	_ =	sdelay $0x3  }
0x96: {  	_ =	strace s2  }
0x97: {  	_ =	strace $0x8FFFFFFF  }
0x98: {  	s18 =	sld [smem:$0x3FDB];
	_ =	sdelay $0x1  }
0x99: {  	s19 =	simm.s32 $_scs_section_size  }
0x9a: {  	s4 =	simm.s32 $_size__tile_overlayer_lowered;
	s5 =	simm.s32 $_tile_overlayer_lowered  }
0x9b: {  	s22 =	simm.s32 $0x1BFF;
	s21 =	sshll.u32 s5, $0x1;
	s2 =	sadd.s32 s19, s18  }
0x9c: {  	s6 =	simm.s32 $0x0;
	s20 =	sshll.u32 s4, $0x1;
	s4 =	sadd.s32 s21, s2  }
0x9d: {  	[timem:s6], [sflag:s22] =	dma.local [hbm:s4], s20  }
0x9e: {  	_ =	swait.ge [sflag:s22], s20  }
0x9f: {  	s3 =	ssub.s32 $0x0, s20;
	[sflag:s22] =	ssyncset.done $0x0  }
0xa0: {  	[sflag:s22] =	ssyncadd.s32 s3;
	_ =	sdelay $0x1  }
0xa1: {  	s23 =	simm.s32 $0x1B8B  }
0xa2: {  	_ =	swait.ge [sflag:s23], $0x1  }
0xa3: {  	[sflag:s23] =	ssyncset.done $0x0  }
0xa4: {  	s25 =	simm.s32 $0x1B8E;
	s24 =	sld [smem:$0x3FFE];
	[sflag:s23] =	ssyncadd.s32 $0xFFFFFFFF  }
0xa5: {  	s26 =	simm.s32 $execute0_lowered;
	[smem:$0x3FD2] =	sst s25  }
0xa6: {  	s4 =	sshll.u32 s26, $0x1;
	_ =	strace $0x80000046;
	[dreg:$0x1] =	wrdreg $0xFFFFFFFF  }
0xa7: {  	s28 =	simm.s32 $_size_execute0_lowered;
	s2 =	sadd.s32 s2, s4;
	[dreg:$0x0] =	wrdreg $0x0  }
0xa8: {  	s4 =	sshll.u32 s28, $0x1;
	[dreg:$0x2] =	wrdreg s2  }
0xa9: {  	[dreg:$0x3] =	wrdreg s4  }
0xaa: {  	[dreg:$0x4] =	wrdreg $0xC0  }
0xab: {  	_ =	task [dreg:s6], $0x5FFFF  }
0xac: {  	[dreg:$0x1] =	wrdreg $0xFFFFFFFF  }
0xad: {  	[dreg:$0x0] =	wrdreg $0x60  }
0xae: {  	[dreg:$0x2] =	wrdreg s24  }
0xaf: {  	[dreg:$0x3] =	wrdreg $0x104000  }
0xb0: {  	[dreg:$0x4] =	wrdreg $0x9  }
0xb1: {  	_ =	task.clear_ibuf [dreg:s6], $0x5FFFF;
	_ =	strace $0x90000046  }
0xb2: {  	s29 =	simm.s32 $0x9;
	_ =	strace $0x80000048  }
0xb3: {  	_ =	swait.ge [sflag:s29], $0x1  }
0xb4: {  	[sflag:s29] =	ssyncadd.s32 $0xFFFFFFFF  }
0xb5: {  	_ =	strace $0x90000048  }
0xb6: {  	_ =	sfence  }
0xb7: {  	s30 =	sld [smem:$0x0];
	_ =	sdelay $0x2  }
0xb8: {  	s31 =	sshll.u32 s1, $0xD;
	s1 =	sshrl.u32 s1, $0x2  }
0xb9: {  	s3 =	sand.u32 $0x4000, s31;
	s1 =	sadd.s32 s1, s30  }
0xba: {  	s0 =	sor.u32 s3, s0;
	s1 =	sshll.u32 s1, $0x11  }
0xbb: {  	s0 =	sor.u32 s1, s0  }
0xbc: {  	s0 =	sadd.s32 $0x8F2B, s0  }
0xbd: {  	[sflag:s0] =	ssyncadd.remote.s32 $0x1  }
0xbe: {  	_ =	sfence.sel $0xFFFF  }
0xbf: {  	[dreg:$0x0] =	wrdreg $0xFFFFFFFF;
	(pc) =	sbr.abs _section_cstart, $3  }
0xc0: {  	[dreg:$0x1] =	wrdreg $0xFFFFFFFF  }
0xc1: {  	_ =	task.clear_ibuf [dreg:s6], $0x2FFFF;
	_ =	strace $0x9FFFFFFF  }
0xc2: {  	(tm) =	ssettm $0x7FFFFFFF  }
0xc3: {  	_ =	shalt  }
tec
execute0_lowered:
.L_overlay_start_1:
0x0: {  	(tag) =	ssettag $0x1  }
0x1: {  	s0 =	rddreg [dreg:$0x0]  }
0x2: {  	s23 =	rddreg [dreg:$0x1]  }
0x3: {  	s1 =	srdreg.scid;
	s11 =	stileid.u32  }
0x4: {  	s3 =	simm.s32 $0x0;
	s14 =	simm.s32 $0x1000;
	s15 =	simm.s32 $0x1800  }
0x5: {  	s28 =	simm.s32 $0x5000;
	s29 =	simm.s32 $0x5800;
	s30 =	simm.s32 $0x6000  }
0x6: {  	s31 =	simm.s32 $0x6800;
	s12 =	simm.s32 $0xB800;
	s13 =	simm.s32 $0xC000  }
0x7: {  	s1 =	sand.u32 $0x1, s1;
	s2 =	sshll.u32 s11, $0xE;
	[smem:$0x7FF] =	sst s3  }
0x8: {  	s5 =	smul.u32 $0x8100, s11;
	s16 =	sshll.u32 s11, $0x13;
	s20 =	sshll.u32 s11, $0x6  }
0x9: {  	s11 =	simm.s32 $0x2;
	s4 =	sshll.u32 s1, $0xD;
	s6 =	smul.u32 $0x81000, s1  }
0xa: {  	_ =	strace $0x80000047;
	s7 =	sadd.s32 s16, s0;
	s8 =	ssub.s32 $0x2, s1  }
0xb: {  	s22 =	sor.u32 $0x1C02, s20;
	s1 =	sshll.u32 s1, $0x12;
	s16 =	simm.s32 $0x2000  }
0xc: {  	s20 =	simm.s32 $0x3800;
	s2 =	sor.u32 s4, s2;
	s17 =	sshrl.u32 s5, $0x3  }
0xd: {  	s10 =	sshrl.u32 s8, $0x1;
	s4 =	sadd.s32 $0x1403400, s0;
	s1 =	sadd.s32 s1, s7  }
0xe: {  	[dreg:$0x8] =	wrdreg s22;
	s7 =	simm.s32 $0x8800;
	s2 =	sshrl.u32 s2, $0x3  }
0xf: {  	s6 =	sadd.s32 s5, s6;
	s9 =	sadd.s32 s17, s0;
	s18 =	ssub.s32 s8, s10  }
0x10: {  	s5 =	sadd.s32 s5, s23;
	s1 =	sadd.s32 $0xC03400, s1;
	s17 =	simm.s32 $0x2800  }
0x11: {  	s8 =	simm.s32 $0x9000;
	s10 =	simm.s32 $0xB000;
	s2 =	sadd.s32 s2, s0  }
0x12: {  	s6 =	sshrl.u32 s6, $0x3;
	s19 =	sadd.s32 $0x2B600, s9;
	[dreg:$0xb] =	wrdreg s1  }
0x13: {  	s0 =	sadd.s32 s6, s0;
	[dreg:$0x7] =	wrdreg s19;
	s6 =	smax.u32 s18, $0x1  }
0x14: {  	s9 =	simm.s32 $0x9800;
	s21 =	sadd.s32 $0x13400, s2;
	[dreg:$0xa] =	wrdreg s6  }
0x15: {  	s24 =	sadd.s32 $0xB400, s2;
	s25 =	sadd.s32 $0x23600, s2;
	[dreg:$0x3] =	wrdreg s21  }
0x16: {  	s26 =	sadd.s32 $0x1B600, s2;
	s18 =	simm.s32 $0x3000;
	[dreg:$0x4] =	wrdreg s24  }
0x17: {  	s19 =	simm.s32 $0xC800;
	s0 =	sadd.s32 $0x3B800, s0;
	[dreg:$0x5] =	wrdreg s25  }
0x18: {  	v2 =	vlaneseq.u32;
	[dreg:$0x6] =	wrdreg s26;
	s24 =	sshrl.u32 s5, $0x3;
	s25 =	simm.s32 $0x4000  }
0x19: {  	vm0 =	vmmov $0xffff;
	v1 =	vshrl.u32 v2, $0x3;
	s26 =	simm.s32 $0x4800;
	s5 =	simm.s32 $0x8000;
	[dreg:$0x9] =	wrdreg s0  }
0x1a: {  	v0 =	vand.u32 $0x7, v2;
	v2 =	vor.u32 $0x8, v2;
	v1 =	vmul.u32 $0x8, v1;
	s6 =	simm.s32 $0xA000;
	s0 =	simm.s32 $0x0;
	[dreg:$0xc] =	wrdreg s24  }
.LBB2_1:
0x1b: {  	[dreg:$0xd] =	wrdreg s0  }
0x1c: {  	s21 =	rddreg [dreg:$0x7]  }
0x1d: {  	[spmem:s24], [sflag:s22] =	dma.local [hbm:s21], $0x1020  }
0x1e: {  	_ =	swait.ge [sflag:s11], $0x1020  }
0x1f: {  	[sflag:s11] =	ssyncset.done $0x0  }
0x20: {  	[sflag:s11] =	ssyncadd.s32 $0xFFFFEFE0  }
0x21: {  	[bflag:$0x0] =	sbarrier.arrive $0xFFFF  }
0x22: {  	s22 =	simm.s32 $0x0;
	s21 =	rddreg [dreg:$0xb]  }
.LBB2_2:
0x23: {  	[tilespmem:s3], [sflag:$0x2] =	stream.linear.gather [hbm4b:s21+s3], $0x10000, $0x38;
	[tilespmem:$0x18500] =	vst v63  }
0x24: {  	_ =	swait.ge [sflag:s11], $0x10000  }
0x25: {  	s24 =	smov.u32 s23;
	s0 =	rddreg [dreg:$0x6];
	[sflag:s11] =	ssyncset.done $0x0  }
0x26: {  	[sflag:s11] =	ssyncadd.s32 $0xFFFF0000;
	s23 =	sadd.s32 s22, s0;
	s0 =	simm.s32 $0x10000  }
0x27: {  	[tilespmem:s0], [sflag:$0x2] =	stream.linear.gather [hbm4b:s23+s3], $0x100, $0x38;
	[tilespmem:$0x18500] =	vst v63  }
0x28: {  	_ =	swait.ge [sflag:s11], $0x100  }
0x29: {  	s1 =	rddreg [dreg:$0x5];
	[sflag:s11] =	ssyncset.done $0x0  }
0x2a: {  	s2 =	simm.s32 $0x10100;
	[sflag:s11] =	ssyncadd.s32 $0xFFFFFF00;
	s23 =	sadd.s32 s22, s1  }
0x2b: {  	[tilespmem:s2], [sflag:$0x2] =	stream.linear.gather [hbm4b:s23+s3], $0x100, $0x38;
	[tilespmem:$0x18500] =	vst v63  }
0x2c: {  	_ =	swait.ge [sflag:s11], $0x100  }
0x2d: {  	s1 =	rddreg [dreg:$0x4];
	[sflag:s11] =	ssyncset.done $0x0  }
0x2e: {  	s2 =	simm.s32 $0x10200;
	[sflag:s11] =	ssyncadd.s32 $0xFFFFFF00;
	s23 =	sadd.s32 s22, s1  }
0x2f: {  	[tilespmem:s2], [sflag:$0x2] =	stream.linear.gather [hbm4b:s23+s3], $0x100, $0x38;
	[tilespmem:$0x18500] =	vst v63  }
0x30: {  	_ =	swait.ge [sflag:s11], $0x100  }
0x31: {  	s0 =	rddreg [dreg:$0x3];
	[sflag:s11] =	ssyncset.done $0x0  }
0x32: {  	s1 =	simm.s32 $0x10300;
	[sflag:s11] =	ssyncadd.s32 $0xFFFFFF00;
	s23 =	sadd.s32 s22, s0  }
0x33: {  	[tilespmem:s1], [sflag:$0x2] =	stream.linear.gather [hbm4b:s23+s3], $0x100, $0x38;
	[tilespmem:$0x18500] =	vst v63  }
0x34: {  	_ =	swait.ge [sflag:s11], $0x100  }
0x35: {  	[sflag:s11] =	ssyncset.done $0x0  }
0x36: {  	[sflag:s11] =	ssyncadd.s32 $0xFFFFFF00  }
0x37: {  	v3 =	vld [tilespmem:$0x10000];
	_ =	sdelay $0x4  }
0x38: {  	v4 =	vshll.u32 v3, $0x1  }
0x39: {  	v3 =	vand.u32 $0x7, v3;
	v4 =	vand.u32 $0xFFFFFFF0, v4  }
0x3a: {  	v3 =	vor.u32 v3, v4  }
0x3b: {  	v4 =	vperm.xlane v3, v0;
	_ =	sdelay $0x1  }
0x3c: {  	v3 =	vperm.xlane v3, v2;
	v4 =	vadd.s32 v1, v4;
	_ =	sdelay $0x1  }
0x3d: {  	v3 =	vadd.s32 v1, v3;
	_ =	sdelay $0x2  }
0x3e: {  	[hbm4b:s4+s3] =	stream.indirect_vreg.scatter [tilespmem:s3], [sflag:$0x1], $0x80, v4, vm0, $0xb8;
	[tilespmem:$0x18500] =	vst v63  }
0x3f: {  	s23 =	smov.u32 s24;
	s24 =	simm.s32 $0x800  }
0x40: {  	[hbm4b:s4+s3] =	stream.indirect_vreg.scatter [tilespmem:s24], [sflag:$0x1], $0x80, v3, vm0, $0xb8;
	[tilespmem:$0x18500] =	vst v63  }
0x41: {  	v3 =	vld [tilespmem:$0x10010];
	_ =	sdelay $0x4  }
0x42: {  	v33 =	vshll.u32 v3, $0x1  }
0x43: {  	v3 =	vand.u32 $0x7, v3;
	v4 =	vand.u32 $0xFFFFFFF0, v33  }
0x44: {  	v3 =	vor.u32 v3, v4  }
0x45: {  	v4 =	vperm.xlane v3, v0;
	_ =	sdelay $0x1  }
0x46: {  	v3 =	vperm.xlane v3, v2;
	v4 =	vadd.s32 v1, v4;
	_ =	sdelay $0x1  }
0x47: {  	v3 =	vadd.s32 v1, v3;
	_ =	sdelay $0x2  }
0x48: {  	[hbm4b:s4+s3] =	stream.indirect_vreg.scatter [tilespmem:s14], [sflag:$0x1], $0x80, v4, vm0, $0xb8;
	[tilespmem:$0x18500] =	vst v63  }
0x49: {  	_ = 	snop  }
0x4a: {  	[hbm4b:s4+s3] =	stream.indirect_vreg.scatter [tilespmem:s15], [sflag:$0x1], $0x80, v3, vm0, $0xb8;
	[tilespmem:$0x18500] =	vst v63  }
0x4b: {  	v3 =	vld [tilespmem:$0x10020];
	_ =	sdelay $0x4  }
0x4c: {  	v34 =	vshll.u32 v3, $0x1  }
0x4d: {  	v3 =	vand.u32 $0x7, v3;
	v4 =	vand.u32 $0xFFFFFFF0, v34  }
0x4e: {  	v3 =	vor.u32 v3, v4  }
0x4f: {  	v4 =	vperm.xlane v3, v0;
	_ =	sdelay $0x1  }
0x50: {  	v3 =	vperm.xlane v3, v2;
	v4 =	vadd.s32 v1, v4;
	_ =	sdelay $0x1  }
0x51: {  	v3 =	vadd.s32 v1, v3;
	_ =	sdelay $0x2  }
0x52: {  	[hbm4b:s4+s3] =	stream.indirect_vreg.scatter [tilespmem:s16], [sflag:$0x1], $0x80, v4, vm0, $0xb8;
	[tilespmem:$0x18500] =	vst v63  }
0x53: {  	_ = 	snop  }
0x54: {  	[hbm4b:s4+s3] =	stream.indirect_vreg.scatter [tilespmem:s17], [sflag:$0x1], $0x80, v3, vm0, $0xb8;
	[tilespmem:$0x18500] =	vst v63  }
0x55: {  	v3 =	vld [tilespmem:$0x10030];
	_ =	sdelay $0x4  }
0x56: {  	v35 =	vshll.u32 v3, $0x1  }
0x57: {  	v3 =	vand.u32 $0x7, v3;
	v4 =	vand.u32 $0xFFFFFFF0, v35  }
0x58: {  	v3 =	vor.u32 v3, v4  }
0x59: {  	v4 =	vperm.xlane v3, v0;
	_ =	sdelay $0x1  }
0x5a: {  	v3 =	vperm.xlane v3, v2;
	v4 =	vadd.s32 v1, v4;
	_ =	sdelay $0x1  }
0x5b: {  	v3 =	vadd.s32 v1, v3;
	_ =	sdelay $0x2  }
0x5c: {  	[hbm4b:s4+s3] =	stream.indirect_vreg.scatter [tilespmem:s18], [sflag:$0x1], $0x80, v4, vm0, $0xb8;
	[tilespmem:$0x18500] =	vst v63  }
0x5d: {  	_ = 	snop  }
0x5e: {  	[hbm4b:s4+s3] =	stream.indirect_vreg.scatter [tilespmem:s20], [sflag:$0x1], $0x80, v3, vm0, $0xb8;
	[tilespmem:$0x18500] =	vst v63  }
0x5f: {  	v3 =	vld [tilespmem:$0x10040];
	_ =	sdelay $0x4  }
0x60: {  	v36 =	vshll.u32 v3, $0x1  }
0x61: {  	v3 =	vand.u32 $0x7, v3;
	v4 =	vand.u32 $0xFFFFFFF0, v36  }
0x62: {  	v3 =	vor.u32 v3, v4  }
0x63: {  	v4 =	vperm.xlane v3, v0;
	_ =	sdelay $0x1  }
0x64: {  	v3 =	vperm.xlane v3, v2;
	v4 =	vadd.s32 v1, v4;
	_ =	sdelay $0x1  }
0x65: {  	v3 =	vadd.s32 v1, v3;
	_ =	sdelay $0x2  }
0x66: {  	[hbm4b:s4+s3] =	stream.indirect_vreg.scatter [tilespmem:s25], [sflag:$0x1], $0x80, v4, vm0, $0xb8;
	[tilespmem:$0x18500] =	vst v63  }
0x67: {  	_ = 	snop  }
0x68: {  	[hbm4b:s4+s3] =	stream.indirect_vreg.scatter [tilespmem:s26], [sflag:$0x1], $0x80, v3, vm0, $0xb8;
	[tilespmem:$0x18500] =	vst v63  }
0x69: {  	v3 =	vld [tilespmem:$0x10050];
	_ =	sdelay $0x4  }
0x6a: {  	v37 =	vshll.u32 v3, $0x1  }
0x6b: {  	v3 =	vand.u32 $0x7, v3;
	v4 =	vand.u32 $0xFFFFFFF0, v37  }
0x6c: {  	v3 =	vor.u32 v3, v4  }
0x6d: {  	v4 =	vperm.xlane v3, v0;
	_ =	sdelay $0x1  }
0x6e: {  	v3 =	vperm.xlane v3, v2;
	v4 =	vadd.s32 v1, v4;
	_ =	sdelay $0x1  }
0x6f: {  	v3 =	vadd.s32 v1, v3;
	_ =	sdelay $0x2  }
0x70: {  	[hbm4b:s4+s3] =	stream.indirect_vreg.scatter [tilespmem:s28], [sflag:$0x1], $0x80, v4, vm0, $0xb8;
	[tilespmem:$0x18500] =	vst v63  }
0x71: {  	_ = 	snop  }
0x72: {  	[hbm4b:s4+s3] =	stream.indirect_vreg.scatter [tilespmem:s29], [sflag:$0x1], $0x80, v3, vm0, $0xb8;
	[tilespmem:$0x18500] =	vst v63  }
0x73: {  	v3 =	vld [tilespmem:$0x10060];
	_ =	sdelay $0x4  }
0x74: {  	v38 =	vshll.u32 v3, $0x1  }
0x75: {  	v3 =	vand.u32 $0x7, v3;
	v4 =	vand.u32 $0xFFFFFFF0, v38  }
0x76: {  	v3 =	vor.u32 v3, v4  }
0x77: {  	v4 =	vperm.xlane v3, v0;
	_ =	sdelay $0x1  }
0x78: {  	v3 =	vperm.xlane v3, v2;
	v4 =	vadd.s32 v1, v4;
	_ =	sdelay $0x1  }
0x79: {  	v3 =	vadd.s32 v1, v3;
	_ =	sdelay $0x2  }
0x7a: {  	[hbm4b:s4+s3] =	stream.indirect_vreg.scatter [tilespmem:s30], [sflag:$0x1], $0x80, v4, vm0, $0xb8;
	[tilespmem:$0x18500] =	vst v63  }
0x7b: {  	_ = 	snop  }
0x7c: {  	[hbm4b:s4+s3] =	stream.indirect_vreg.scatter [tilespmem:s31], [sflag:$0x1], $0x80, v3, vm0, $0xb8;
	[tilespmem:$0x18500] =	vst v63  }
0x7d: {  	v3 =	vld [tilespmem:$0x10070];
	_ =	sdelay $0x4  }
0x7e: {  	v39 =	vshll.u32 v3, $0x1  }
0x7f: {  	v3 =	vand.u32 $0x7, v3;
	v4 =	vand.u32 $0xFFFFFFF0, v39  }
0x80: {  	v3 =	vor.u32 v3, v4  }
0x81: {  	v4 =	vperm.xlane v3, v0;
	_ =	sdelay $0x1  }
0x82: {  	v3 =	vperm.xlane v3, v2;
	v4 =	vadd.s32 v1, v4;
	_ =	sdelay $0x1  }
0x83: {  	v3 =	vadd.s32 v1, v3;
	_ =	sdelay $0x1  }
0x84: {  	s2 =	simm.s32 $0x7000  }
0x85: {  	[hbm4b:s4+s3] =	stream.indirect_vreg.scatter [tilespmem:s2], [sflag:$0x1], $0x80, v4, vm0, $0xb8;
	[tilespmem:$0x18500] =	vst v63  }
0x86: {  	s1 =	simm.s32 $0x7800  }
0x87: {  	[hbm4b:s4+s3] =	stream.indirect_vreg.scatter [tilespmem:s1], [sflag:$0x1], $0x80, v3, vm0, $0xb8;
	[tilespmem:$0x18500] =	vst v63  }
0x88: {  	v3 =	vld [tilespmem:$0x10080];
	_ =	sdelay $0x4  }
0x89: {  	v40 =	vshll.u32 v3, $0x1  }
0x8a: {  	v3 =	vand.u32 $0x7, v3;
	v4 =	vand.u32 $0xFFFFFFF0, v40  }
0x8b: {  	v3 =	vor.u32 v3, v4  }
0x8c: {  	v4 =	vperm.xlane v3, v0;
	_ =	sdelay $0x1  }
0x8d: {  	v3 =	vperm.xlane v3, v2;
	v4 =	vadd.s32 v1, v4;
	_ =	sdelay $0x1  }
0x8e: {  	v3 =	vadd.s32 v1, v3;
	_ =	sdelay $0x2  }
0x8f: {  	[hbm4b:s4+s3] =	stream.indirect_vreg.scatter [tilespmem:s5], [sflag:$0x1], $0x80, v4, vm0, $0xb8;
	[tilespmem:$0x18500] =	vst v63  }
0x90: {  	_ = 	snop  }
0x91: {  	[hbm4b:s4+s3] =	stream.indirect_vreg.scatter [tilespmem:s7], [sflag:$0x1], $0x80, v3, vm0, $0xb8;
	[tilespmem:$0x18500] =	vst v63  }
0x92: {  	v3 =	vld [tilespmem:$0x10090];
	_ =	sdelay $0x4  }
0x93: {  	v41 =	vshll.u32 v3, $0x1  }
0x94: {  	v3 =	vand.u32 $0x7, v3;
	v4 =	vand.u32 $0xFFFFFFF0, v41  }
0x95: {  	v3 =	vor.u32 v3, v4  }
0x96: {  	v4 =	vperm.xlane v3, v0;
	_ =	sdelay $0x1  }
0x97: {  	v3 =	vperm.xlane v3, v2;
	v4 =	vadd.s32 v1, v4;
	_ =	sdelay $0x1  }
0x98: {  	v3 =	vadd.s32 v1, v3;
	_ =	sdelay $0x2  }
0x99: {  	[hbm4b:s4+s3] =	stream.indirect_vreg.scatter [tilespmem:s8], [sflag:$0x1], $0x80, v4, vm0, $0xb8;
	[tilespmem:$0x18500] =	vst v63  }
0x9a: {  	_ = 	snop  }
0x9b: {  	[hbm4b:s4+s3] =	stream.indirect_vreg.scatter [tilespmem:s9], [sflag:$0x1], $0x80, v3, vm0, $0xb8;
	[tilespmem:$0x18500] =	vst v63  }
0x9c: {  	v3 =	vld [tilespmem:$0x100A0];
	_ =	sdelay $0x4  }
0x9d: {  	v42 =	vshll.u32 v3, $0x1  }
0x9e: {  	v3 =	vand.u32 $0x7, v3;
	v4 =	vand.u32 $0xFFFFFFF0, v42  }
0x9f: {  	v3 =	vor.u32 v3, v4  }
0xa0: {  	v4 =	vperm.xlane v3, v0;
	_ =	sdelay $0x1  }
0xa1: {  	v3 =	vperm.xlane v3, v2;
	v4 =	vadd.s32 v1, v4;
	_ =	sdelay $0x1  }
0xa2: {  	v3 =	vadd.s32 v1, v3;
	_ =	sdelay $0x2  }
0xa3: {  	[hbm4b:s4+s3] =	stream.indirect_vreg.scatter [tilespmem:s6], [sflag:$0x1], $0x80, v4, vm0, $0xb8;
	[tilespmem:$0x18500] =	vst v63  }
0xa4: {  	s2 =	simm.s32 $0xA800  }
0xa5: {  	[hbm4b:s4+s3] =	stream.indirect_vreg.scatter [tilespmem:s2], [sflag:$0x1], $0x80, v3, vm0, $0xb8;
	[tilespmem:$0x18500] =	vst v63  }
0xa6: {  	v3 =	vld [tilespmem:$0x100B0];
	_ =	sdelay $0x4  }
0xa7: {  	v43 =	vshll.u32 v3, $0x1  }
0xa8: {  	v3 =	vand.u32 $0x7, v3;
	v4 =	vand.u32 $0xFFFFFFF0, v43  }
0xa9: {  	v3 =	vor.u32 v3, v4  }
0xaa: {  	v4 =	vperm.xlane v3, v0;
	_ =	sdelay $0x1  }
0xab: {  	v3 =	vperm.xlane v3, v2;
	v4 =	vadd.s32 v1, v4;
	_ =	sdelay $0x1  }
0xac: {  	v3 =	vadd.s32 v1, v3;
	_ =	sdelay $0x2  }
0xad: {  	[hbm4b:s4+s3] =	stream.indirect_vreg.scatter [tilespmem:s10], [sflag:$0x1], $0x80, v4, vm0, $0xb8;
	[tilespmem:$0x18500] =	vst v63  }
0xae: {  	_ = 	snop  }
0xaf: {  	[hbm4b:s4+s3] =	stream.indirect_vreg.scatter [tilespmem:s12], [sflag:$0x1], $0x80, v3, vm0, $0xb8;
	[tilespmem:$0x18500] =	vst v63  }
0xb0: {  	v3 =	vld [tilespmem:$0x100C0];
	_ =	sdelay $0x4  }
0xb1: {  	v44 =	vshll.u32 v3, $0x1  }
0xb2: {  	v3 =	vand.u32 $0x7, v3;
	v4 =	vand.u32 $0xFFFFFFF0, v44  }
0xb3: {  	v3 =	vor.u32 v3, v4  }
0xb4: {  	v4 =	vperm.xlane v3, v0;
	_ =	sdelay $0x1  }
0xb5: {  	v3 =	vperm.xlane v3, v2;
	v4 =	vadd.s32 v1, v4;
	_ =	sdelay $0x1  }
0xb6: {  	v3 =	vadd.s32 v1, v3;
	_ =	sdelay $0x2  }
0xb7: {  	[hbm4b:s4+s3] =	stream.indirect_vreg.scatter [tilespmem:s13], [sflag:$0x1], $0x80, v4, vm0, $0xb8;
	[tilespmem:$0x18500] =	vst v63  }
0xb8: {  	_ = 	snop  }
0xb9: {  	[hbm4b:s4+s3] =	stream.indirect_vreg.scatter [tilespmem:s19], [sflag:$0x1], $0x80, v3, vm0, $0xb8;
	[tilespmem:$0x18500] =	vst v63  }
0xba: {  	v3 =	vld [tilespmem:$0x100D0];
	_ =	sdelay $0x4  }
0xbb: {  	v45 =	vshll.u32 v3, $0x1  }
0xbc: {  	v3 =	vand.u32 $0x7, v3;
	v4 =	vand.u32 $0xFFFFFFF0, v45  }
0xbd: {  	v3 =	vor.u32 v3, v4  }
0xbe: {  	v4 =	vperm.xlane v3, v0;
	_ =	sdelay $0x1  }
0xbf: {  	v3 =	vperm.xlane v3, v2;
	v4 =	vadd.s32 v1, v4;
	_ =	sdelay $0x1  }
0xc0: {  	v3 =	vadd.s32 v1, v3;
	_ =	sdelay $0x1  }
0xc1: {  	s1 =	simm.s32 $0xD000  }
0xc2: {  	[hbm4b:s4+s3] =	stream.indirect_vreg.scatter [tilespmem:s1], [sflag:$0x1], $0x80, v4, vm0, $0xb8;
	[tilespmem:$0x18500] =	vst v63  }
0xc3: {  	s1 =	simm.s32 $0xD800  }
0xc4: {  	[hbm4b:s4+s3] =	stream.indirect_vreg.scatter [tilespmem:s1], [sflag:$0x1], $0x80, v3, vm0, $0xb8;
	[tilespmem:$0x18500] =	vst v63  }
0xc5: {  	v3 =	vld [tilespmem:$0x100E0];
	_ =	sdelay $0x4  }
0xc6: {  	v46 =	vshll.u32 v3, $0x1  }
0xc7: {  	v3 =	vand.u32 $0x7, v3;
	v4 =	vand.u32 $0xFFFFFFF0, v46  }
0xc8: {  	v3 =	vor.u32 v3, v4  }
0xc9: {  	v4 =	vperm.xlane v3, v0;
	_ =	sdelay $0x1  }
0xca: {  	v3 =	vperm.xlane v3, v2;
	v4 =	vadd.s32 v1, v4;
	_ =	sdelay $0x1  }
0xcb: {  	v3 =	vadd.s32 v1, v3;
	_ =	sdelay $0x1  }
0xcc: {  	s1 =	simm.s32 $0xE000  }
0xcd: {  	[hbm4b:s4+s3] =	stream.indirect_vreg.scatter [tilespmem:s1], [sflag:$0x1], $0x80, v4, vm0, $0xb8;
	[tilespmem:$0x18500] =	vst v63  }
0xce: {  	s1 =	simm.s32 $0xE800  }
0xcf: {  	[hbm4b:s4+s3] =	stream.indirect_vreg.scatter [tilespmem:s1], [sflag:$0x1], $0x80, v3, vm0, $0xb8;
	[tilespmem:$0x18500] =	vst v63  }
0xd0: {  	v3 =	vld [tilespmem:$0x100F0];
	_ =	sdelay $0x4  }
0xd1: {  	v47 =	vshll.u32 v3, $0x1  }
0xd2: {  	v3 =	vand.u32 $0x7, v3;
	v4 =	vand.u32 $0xFFFFFFF0, v47  }
0xd3: {  	v3 =	vor.u32 v3, v4  }
0xd4: {  	v4 =	vperm.xlane v3, v0;
	_ =	sdelay $0x1  }
0xd5: {  	v3 =	vperm.xlane v3, v2;
	v4 =	vadd.s32 v1, v4;
	_ =	sdelay $0x1  }
0xd6: {  	v3 =	vadd.s32 v1, v3;
	_ =	sdelay $0x1  }
0xd7: {  	s1 =	simm.s32 $0xF000  }
0xd8: {  	[hbm4b:s4+s3] =	stream.indirect_vreg.scatter [tilespmem:s1], [sflag:$0x1], $0x80, v4, vm0, $0xb8;
	[tilespmem:$0x18500] =	vst v63  }
0xd9: {  	s0 =	simm.s32 $0x1;
	s1 =	simm.s32 $0xF800  }
0xda: {  	[hbm4b:s4+s3] =	stream.indirect_vreg.scatter [tilespmem:s1], [sflag:$0x1], $0x80, v3, vm0, $0xb8;
	[tilespmem:$0x18500] =	vst v63  }
0xdb: {  	_ =	swait.ge [sflag:s0], $0x10000  }
0xdc: {  	[sflag:s0] =	ssyncset.done $0x0  }
0xdd: {  	[sflag:s0] =	ssyncadd.s32 $0xFFFF0000  }
0xde: {  	v3 =	vld [tilespmem:$0x10100];
	_ =	sdelay $0x4  }
0xdf: {  	v48 =	vshll.u32 v3, $0x1  }
0xe0: {  	v3 =	vand.u32 $0x7, v3;
	v4 =	vand.u32 $0xFFFFFFF0, v48  }
0xe1: {  	v3 =	vor.u32 v3, v4  }
0xe2: {  	v4 =	vperm.xlane v3, v0;
	_ =	sdelay $0x1  }
0xe3: {  	v3 =	vperm.xlane v3, v2;
	v4 =	vadd.s32 v1, v4;
	_ =	sdelay $0x1  }
0xe4: {  	v3 =	vadd.s32 v1, v3;
	_ =	sdelay $0x2  }
0xe5: {  	[hbm4b:s4+s3] =	stream.indirect_vreg.scatter [tilespmem:s3], [sflag:$0x1], $0x80, v4, vm0, $0xb8;
	[tilespmem:$0x18500] =	vst v63  }
0xe6: {  	_ = 	snop  }
0xe7: {  	[hbm4b:s4+s3] =	stream.indirect_vreg.scatter [tilespmem:s24], [sflag:$0x1], $0x80, v3, vm0, $0xb8;
	[tilespmem:$0x18500] =	vst v63  }
0xe8: {  	v3 =	vld [tilespmem:$0x10110];
	_ =	sdelay $0x4  }
0xe9: {  	v49 =	vshll.u32 v3, $0x1  }
0xea: {  	v3 =	vand.u32 $0x7, v3;
	v4 =	vand.u32 $0xFFFFFFF0, v49  }
0xeb: {  	v3 =	vor.u32 v3, v4  }
0xec: {  	v4 =	vperm.xlane v3, v0;
	_ =	sdelay $0x1  }
0xed: {  	v3 =	vperm.xlane v3, v2;
	v4 =	vadd.s32 v1, v4;
	_ =	sdelay $0x1  }
0xee: {  	v3 =	vadd.s32 v1, v3;
	_ =	sdelay $0x2  }
0xef: {  	[hbm4b:s4+s3] =	stream.indirect_vreg.scatter [tilespmem:s14], [sflag:$0x1], $0x80, v4, vm0, $0xb8;
	[tilespmem:$0x18500] =	vst v63  }
0xf0: {  	_ = 	snop  }
0xf1: {  	[hbm4b:s4+s3] =	stream.indirect_vreg.scatter [tilespmem:s15], [sflag:$0x1], $0x80, v3, vm0, $0xb8;
	[tilespmem:$0x18500] =	vst v63  }
0xf2: {  	v3 =	vld [tilespmem:$0x10120];
	_ =	sdelay $0x4  }
0xf3: {  	v50 =	vshll.u32 v3, $0x1  }
0xf4: {  	v3 =	vand.u32 $0x7, v3;
	v4 =	vand.u32 $0xFFFFFFF0, v50  }
0xf5: {  	v3 =	vor.u32 v3, v4  }
0xf6: {  	v4 =	vperm.xlane v3, v0;
	_ =	sdelay $0x1  }
0xf7: {  	v3 =	vperm.xlane v3, v2;
	v4 =	vadd.s32 v1, v4;
	_ =	sdelay $0x1  }
0xf8: {  	v3 =	vadd.s32 v1, v3;
	_ =	sdelay $0x2  }
0xf9: {  	[hbm4b:s4+s3] =	stream.indirect_vreg.scatter [tilespmem:s16], [sflag:$0x1], $0x80, v4, vm0, $0xb8;
	[tilespmem:$0x18500] =	vst v63  }
0xfa: {  	_ = 	snop  }
0xfb: {  	[hbm4b:s4+s3] =	stream.indirect_vreg.scatter [tilespmem:s17], [sflag:$0x1], $0x80, v3, vm0, $0xb8;
	[tilespmem:$0x18500] =	vst v63  }
0xfc: {  	v3 =	vld [tilespmem:$0x10130];
	_ =	sdelay $0x4  }
0xfd: {  	v51 =	vshll.u32 v3, $0x1  }
0xfe: {  	v3 =	vand.u32 $0x7, v3;
	v4 =	vand.u32 $0xFFFFFFF0, v51  }
0xff: {  	v3 =	vor.u32 v3, v4  }
0x100: {  	v4 =	vperm.xlane v3, v0;
	_ =	sdelay $0x1  }
0x101: {  	v3 =	vperm.xlane v3, v2;
	v4 =	vadd.s32 v1, v4;
	_ =	sdelay $0x1  }
0x102: {  	v3 =	vadd.s32 v1, v3;
	_ =	sdelay $0x2  }
0x103: {  	[hbm4b:s4+s3] =	stream.indirect_vreg.scatter [tilespmem:s18], [sflag:$0x1], $0x80, v4, vm0, $0xb8;
	[tilespmem:$0x18500] =	vst v63  }
0x104: {  	_ = 	snop  }
0x105: {  	[hbm4b:s4+s3] =	stream.indirect_vreg.scatter [tilespmem:s20], [sflag:$0x1], $0x80, v3, vm0, $0xb8;
	[tilespmem:$0x18500] =	vst v63  }
0x106: {  	v3 =	vld [tilespmem:$0x10140];
	_ =	sdelay $0x4  }
0x107: {  	v52 =	vshll.u32 v3, $0x1  }
0x108: {  	v3 =	vand.u32 $0x7, v3;
	v4 =	vand.u32 $0xFFFFFFF0, v52  }
0x109: {  	v3 =	vor.u32 v3, v4  }
0x10a: {  	v4 =	vperm.xlane v3, v0;
	_ =	sdelay $0x1  }
0x10b: {  	v3 =	vperm.xlane v3, v2;
	v4 =	vadd.s32 v1, v4;
	_ =	sdelay $0x1  }
0x10c: {  	v3 =	vadd.s32 v1, v3;
	_ =	sdelay $0x2  }
0x10d: {  	[hbm4b:s4+s3] =	stream.indirect_vreg.scatter [tilespmem:s25], [sflag:$0x1], $0x80, v4, vm0, $0xb8;
	[tilespmem:$0x18500] =	vst v63  }
0x10e: {  	_ = 	snop  }
0x10f: {  	[hbm4b:s4+s3] =	stream.indirect_vreg.scatter [tilespmem:s26], [sflag:$0x1], $0x80, v3, vm0, $0xb8;
	[tilespmem:$0x18500] =	vst v63  }
0x110: {  	v3 =	vld [tilespmem:$0x10150];
	_ =	sdelay $0x4  }
0x111: {  	v53 =	vshll.u32 v3, $0x1  }
0x112: {  	v3 =	vand.u32 $0x7, v3;
	v4 =	vand.u32 $0xFFFFFFF0, v53  }
0x113: {  	v3 =	vor.u32 v3, v4  }
0x114: {  	v4 =	vperm.xlane v3, v0;
	_ =	sdelay $0x1  }
0x115: {  	v3 =	vperm.xlane v3, v2;
	v4 =	vadd.s32 v1, v4;
	_ =	sdelay $0x1  }
0x116: {  	v3 =	vadd.s32 v1, v3;
	_ =	sdelay $0x2  }
0x117: {  	[hbm4b:s4+s3] =	stream.indirect_vreg.scatter [tilespmem:s28], [sflag:$0x1], $0x80, v4, vm0, $0xb8;
	[tilespmem:$0x18500] =	vst v63  }
0x118: {  	_ = 	snop  }
0x119: {  	[hbm4b:s4+s3] =	stream.indirect_vreg.scatter [tilespmem:s29], [sflag:$0x1], $0x80, v3, vm0, $0xb8;
	[tilespmem:$0x18500] =	vst v63  }
0x11a: {  	v3 =	vld [tilespmem:$0x10160];
	_ =	sdelay $0x4  }
0x11b: {  	v54 =	vshll.u32 v3, $0x1  }
0x11c: {  	v3 =	vand.u32 $0x7, v3;
	v4 =	vand.u32 $0xFFFFFFF0, v54  }
0x11d: {  	v3 =	vor.u32 v3, v4  }
0x11e: {  	v4 =	vperm.xlane v3, v0;
	_ =	sdelay $0x1  }
0x11f: {  	v3 =	vperm.xlane v3, v2;
	v4 =	vadd.s32 v1, v4;
	_ =	sdelay $0x1  }
0x120: {  	v3 =	vadd.s32 v1, v3;
	_ =	sdelay $0x2  }
0x121: {  	[hbm4b:s4+s3] =	stream.indirect_vreg.scatter [tilespmem:s30], [sflag:$0x1], $0x80, v4, vm0, $0xb8;
	[tilespmem:$0x18500] =	vst v63  }
0x122: {  	_ = 	snop  }
0x123: {  	[hbm4b:s4+s3] =	stream.indirect_vreg.scatter [tilespmem:s31], [sflag:$0x1], $0x80, v3, vm0, $0xb8;
	[tilespmem:$0x18500] =	vst v63  }
0x124: {  	v3 =	vld [tilespmem:$0x10170];
	_ =	sdelay $0x4  }
0x125: {  	v55 =	vshll.u32 v3, $0x1  }
0x126: {  	v3 =	vand.u32 $0x7, v3;
	v4 =	vand.u32 $0xFFFFFFF0, v55  }
0x127: {  	v3 =	vor.u32 v3, v4  }
0x128: {  	v4 =	vperm.xlane v3, v0;
	_ =	sdelay $0x1  }
0x129: {  	v3 =	vperm.xlane v3, v2;
	v4 =	vadd.s32 v1, v4;
	_ =	sdelay $0x1  }
0x12a: {  	v3 =	vadd.s32 v1, v3;
	_ =	sdelay $0x1  }
0x12b: {  	s24 =	simm.s32 $0x7000  }
0x12c: {  	[hbm4b:s4+s3] =	stream.indirect_vreg.scatter [tilespmem:s24], [sflag:$0x1], $0x80, v4, vm0, $0xb8;
	[tilespmem:$0x18500] =	vst v63  }
0x12d: {  	s24 =	simm.s32 $0x7800  }
0x12e: {  	[hbm4b:s4+s3] =	stream.indirect_vreg.scatter [tilespmem:s24], [sflag:$0x1], $0x80, v3, vm0, $0xb8;
	[tilespmem:$0x18500] =	vst v63  }
0x12f: {  	v3 =	vld [tilespmem:$0x10180];
	_ =	sdelay $0x4  }
0x130: {  	v56 =	vshll.u32 v3, $0x1  }
0x131: {  	v3 =	vand.u32 $0x7, v3;
	v4 =	vand.u32 $0xFFFFFFF0, v56  }
0x132: {  	v3 =	vor.u32 v3, v4  }
0x133: {  	v4 =	vperm.xlane v3, v0;
	_ =	sdelay $0x1  }
0x134: {  	v3 =	vperm.xlane v3, v2;
	v4 =	vadd.s32 v1, v4;
	_ =	sdelay $0x1  }
0x135: {  	v3 =	vadd.s32 v1, v3;
	_ =	sdelay $0x2  }
0x136: {  	[hbm4b:s4+s3] =	stream.indirect_vreg.scatter [tilespmem:s5], [sflag:$0x1], $0x80, v4, vm0, $0xb8;
	[tilespmem:$0x18500] =	vst v63  }
0x137: {  	_ = 	snop  }
0x138: {  	[hbm4b:s4+s3] =	stream.indirect_vreg.scatter [tilespmem:s7], [sflag:$0x1], $0x80, v3, vm0, $0xb8;
	[tilespmem:$0x18500] =	vst v63  }
0x139: {  	v3 =	vld [tilespmem:$0x10190];
	_ =	sdelay $0x4  }
0x13a: {  	v57 =	vshll.u32 v3, $0x1  }
0x13b: {  	v3 =	vand.u32 $0x7, v3;
	v4 =	vand.u32 $0xFFFFFFF0, v57  }
0x13c: {  	v3 =	vor.u32 v3, v4  }
0x13d: {  	v4 =	vperm.xlane v3, v0;
	_ =	sdelay $0x1  }
0x13e: {  	v3 =	vperm.xlane v3, v2;
	v4 =	vadd.s32 v1, v4;
	_ =	sdelay $0x1  }
0x13f: {  	v3 =	vadd.s32 v1, v3;
	_ =	sdelay $0x2  }
0x140: {  	[hbm4b:s4+s3] =	stream.indirect_vreg.scatter [tilespmem:s8], [sflag:$0x1], $0x80, v4, vm0, $0xb8;
	[tilespmem:$0x18500] =	vst v63  }
0x141: {  	_ = 	snop  }
0x142: {  	[hbm4b:s4+s3] =	stream.indirect_vreg.scatter [tilespmem:s9], [sflag:$0x1], $0x80, v3, vm0, $0xb8;
	[tilespmem:$0x18500] =	vst v63  }
0x143: {  	v3 =	vld [tilespmem:$0x101A0];
	_ =	sdelay $0x4  }
0x144: {  	v58 =	vshll.u32 v3, $0x1  }
0x145: {  	v3 =	vand.u32 $0x7, v3;
	v4 =	vand.u32 $0xFFFFFFF0, v58  }
0x146: {  	v3 =	vor.u32 v3, v4  }
0x147: {  	v4 =	vperm.xlane v3, v0;
	_ =	sdelay $0x1  }
0x148: {  	v3 =	vperm.xlane v3, v2;
	v4 =	vadd.s32 v1, v4;
	_ =	sdelay $0x1  }
0x149: {  	v3 =	vadd.s32 v1, v3;
	_ =	sdelay $0x2  }
0x14a: {  	[hbm4b:s4+s3] =	stream.indirect_vreg.scatter [tilespmem:s6], [sflag:$0x1], $0x80, v4, vm0, $0xb8;
	[tilespmem:$0x18500] =	vst v63  }
0x14b: {  	_ = 	snop  }
0x14c: {  	[hbm4b:s4+s3] =	stream.indirect_vreg.scatter [tilespmem:s2], [sflag:$0x1], $0x80, v3, vm0, $0xb8;
	[tilespmem:$0x18500] =	vst v63  }
0x14d: {  	v3 =	vld [tilespmem:$0x101B0];
	_ =	sdelay $0x4  }
0x14e: {  	v59 =	vshll.u32 v3, $0x1  }
0x14f: {  	v3 =	vand.u32 $0x7, v3;
	v4 =	vand.u32 $0xFFFFFFF0, v59  }
0x150: {  	v3 =	vor.u32 v3, v4  }
0x151: {  	v4 =	vperm.xlane v3, v0;
	_ =	sdelay $0x1  }
0x152: {  	v3 =	vperm.xlane v3, v2;
	v4 =	vadd.s32 v1, v4;
	_ =	sdelay $0x1  }
0x153: {  	v3 =	vadd.s32 v1, v3;
	_ =	sdelay $0x2  }
0x154: {  	[hbm4b:s4+s3] =	stream.indirect_vreg.scatter [tilespmem:s10], [sflag:$0x1], $0x80, v4, vm0, $0xb8;
	[tilespmem:$0x18500] =	vst v63  }
0x155: {  	_ = 	snop  }
0x156: {  	[hbm4b:s4+s3] =	stream.indirect_vreg.scatter [tilespmem:s12], [sflag:$0x1], $0x80, v3, vm0, $0xb8;
	[tilespmem:$0x18500] =	vst v63  }
0x157: {  	v3 =	vld [tilespmem:$0x101C0];
	_ =	sdelay $0x4  }
0x158: {  	v60 =	vshll.u32 v3, $0x1  }
0x159: {  	v3 =	vand.u32 $0x7, v3;
	v4 =	vand.u32 $0xFFFFFFF0, v60  }
0x15a: {  	v3 =	vor.u32 v3, v4  }
0x15b: {  	v4 =	vperm.xlane v3, v0;
	_ =	sdelay $0x1  }
0x15c: {  	v3 =	vperm.xlane v3, v2;
	v4 =	vadd.s32 v1, v4;
	_ =	sdelay $0x1  }
0x15d: {  	v3 =	vadd.s32 v1, v3;
	_ =	sdelay $0x2  }
0x15e: {  	[hbm4b:s4+s3] =	stream.indirect_vreg.scatter [tilespmem:s13], [sflag:$0x1], $0x80, v4, vm0, $0xb8;
	[tilespmem:$0x18500] =	vst v63  }
0x15f: {  	_ = 	snop  }
0x160: {  	[hbm4b:s4+s3] =	stream.indirect_vreg.scatter [tilespmem:s19], [sflag:$0x1], $0x80, v3, vm0, $0xb8;
	[tilespmem:$0x18500] =	vst v63  }
0x161: {  	v3 =	vld [tilespmem:$0x101D0];
	_ =	sdelay $0x4  }
0x162: {  	v61 =	vshll.u32 v3, $0x1  }
0x163: {  	v3 =	vand.u32 $0x7, v3;
	v4 =	vand.u32 $0xFFFFFFF0, v61  }
0x164: {  	v3 =	vor.u32 v3, v4  }
0x165: {  	v4 =	vperm.xlane v3, v0;
	_ =	sdelay $0x1  }
0x166: {  	v3 =	vperm.xlane v3, v2;
	v4 =	vadd.s32 v1, v4;
	_ =	sdelay $0x1  }
0x167: {  	v3 =	vadd.s32 v1, v3;
	_ =	sdelay $0x1  }
0x168: {  	s24 =	simm.s32 $0xD000  }
0x169: {  	[hbm4b:s4+s3] =	stream.indirect_vreg.scatter [tilespmem:s24], [sflag:$0x1], $0x80, v4, vm0, $0xb8;
	[tilespmem:$0x18500] =	vst v63  }
0x16a: {  	s24 =	simm.s32 $0xD800  }
0x16b: {  	[hbm4b:s4+s3] =	stream.indirect_vreg.scatter [tilespmem:s24], [sflag:$0x1], $0x80, v3, vm0, $0xb8;
	[tilespmem:$0x18500] =	vst v63  }
0x16c: {  	v3 =	vld [tilespmem:$0x101E0];
	_ =	sdelay $0x4  }
0x16d: {  	v62 =	vshll.u32 v3, $0x1  }
0x16e: {  	v3 =	vand.u32 $0x7, v3;
	v4 =	vand.u32 $0xFFFFFFF0, v62  }
0x16f: {  	v3 =	vor.u32 v3, v4  }
0x170: {  	v4 =	vperm.xlane v3, v0;
	_ =	sdelay $0x1  }
0x171: {  	v3 =	vperm.xlane v3, v2;
	v4 =	vadd.s32 v1, v4;
	_ =	sdelay $0x1  }
0x172: {  	v3 =	vadd.s32 v1, v3;
	_ =	sdelay $0x1  }
0x173: {  	s24 =	simm.s32 $0xE000  }
0x174: {  	[hbm4b:s4+s3] =	stream.indirect_vreg.scatter [tilespmem:s24], [sflag:$0x1], $0x80, v4, vm0, $0xb8;
	[tilespmem:$0x18500] =	vst v63  }
0x175: {  	s24 =	simm.s32 $0xE800  }
0x176: {  	[hbm4b:s4+s3] =	stream.indirect_vreg.scatter [tilespmem:s24], [sflag:$0x1], $0x80, v3, vm0, $0xb8;
	[tilespmem:$0x18500] =	vst v63  }
0x177: {  	v3 =	vld [tilespmem:$0x101F0];
	_ =	sdelay $0x4  }
0x178: {  	v63 =	vshll.u32 v3, $0x1  }
0x179: {  	v3 =	vand.u32 $0x7, v3;
	v4 =	vand.u32 $0xFFFFFFF0, v63  }
0x17a: {  	v3 =	vor.u32 v3, v4  }
0x17b: {  	v4 =	vperm.xlane v3, v0;
	_ =	sdelay $0x1  }
0x17c: {  	v3 =	vperm.xlane v3, v2;
	v4 =	vadd.s32 v1, v4;
	_ =	sdelay $0x1  }
0x17d: {  	v3 =	vadd.s32 v1, v3;
	_ =	sdelay $0x1  }
0x17e: {  	s24 =	simm.s32 $0xF000  }
0x17f: {  	[hbm4b:s4+s3] =	stream.indirect_vreg.scatter [tilespmem:s24], [sflag:$0x1], $0x80, v4, vm0, $0xb8;
	[tilespmem:$0x18500] =	vst v63  }
0x180: {  	s0 =	simm.s32 $0x1  }
0x181: {  	[hbm4b:s4+s3] =	stream.indirect_vreg.scatter [tilespmem:s1], [sflag:$0x1], $0x80, v3, vm0, $0xb8;
	[tilespmem:$0x18500] =	vst v63  }
0x182: {  	_ =	swait.ge [sflag:s0], $0x10000  }
0x183: {  	s2 =	simm.s32 $0x10000;
	[sflag:s0] =	ssyncset.done $0x0  }
0x184: {  	s24 =	simm.s32 $0x10200;
	[sflag:s0] =	ssyncadd.s32 $0xFFFF0000;
	s0 =	simm.s32 $0x100  }
0x185: {  	[spmem:s23] =	stream.indirect.scatter [tilespmem:s24], [sflag:$0x2], $0x1, s2, s0, $0xb8;
	[tilespmem:$0x18500] =	vst v63  }
0x186: {  	_ =	swait.ge [sflag:s11], $0x100  }
0x187: {  	p0 =	sne.s32 s22, $0x3E0;
	s2 =	simm.s32 $0x10100;
	[sflag:s11] =	ssyncset.done $0x0  }
.Ltmp0:
0x188: {  	s24 =	simm.s32 $0x10300;
	[sflag:s11] =	ssyncadd.s32 $0xFFFFFF00;
	(pc) =	sbr.rel @p0 .LBB2_2-.Ltmp0, $4  }
0x189: {  	[spmem:s23] =	stream.indirect.scatter [tilespmem:s24], [sflag:$0x2], $0x1, s2, s0, $0xb8;
	[tilespmem:$0x18500] =	vst v63  }
0x18a: {  	_ =	swait.ge [sflag:s11], $0x100  }
0x18b: {  	[sflag:s11] =	ssyncset.done $0x0  }
0x18c: {  	s21 =	sadd.s32 $0x2000, s21;
	s22 =	sadd.s32 $0x20, s22;
	[sflag:s11] =	ssyncadd.s32 $0xFFFFFF00  }
0x18d: {  	[bflag:$0x0] =	sbarrier.arrive $0xFFFF  }
0x18e: {  	s22 =	rddreg [dreg:$0x8]  }
0x18f: {  	s21 =	rddreg [dreg:$0x9]  }
0x190: {  	s24 =	rddreg [dreg:$0xc]  }
0x191: {  	[hbm:s21], [sflag:s22] =	dma.local [spmem:s24], $0x1020  }
0x192: {  	_ =	swait.ge [sflag:s11], $0x1020  }
0x193: {  	s0 =	rddreg [dreg:$0xd]  }
0x194: {  	s2 =	rddreg [dreg:$0xa];
	s0 =	sadd.s32 $0x1, s0  }
0x195: {  	p0 =	sne.s32 s0, s2  }
.Ltmp1:
0x196: {  	_ = 	snop;
	(pc) =	sbr.rel @p0 .LBB2_1-.Ltmp1, $3  }
0x197: {  	_ =	sdelay $0x1  }
0x198: {  	[sflag:s11] =	ssyncset.done $0x0  }
0x199: {  	[sflag:s11] =	ssyncadd.s32 $0xFFFFEFE0  }
0x19a: {  	_ =	sfence.sel $0x180000  }
0x19b: {  	[bflag:$0x0] =	sbarrier.arrive $0xFFFF  }
0x19c: {  	_ =	strace $0x90000047  }
0x19d: {  	s0 =	stileid.u32;
	[bflag:$0x2] =	sbarrier.arrive $0xFFFF  }
0x19e: {  	p0 =	sne.s32 s0, $0x0;
	s0 =	rddreg [dreg:$0x2]  }
0x19f: {  	s0 =	sadd.s32 @!p0 $0x100000, s0  }
0x1a0: {  	[sflag:s0] =	ssyncadd.tile.s32 @!p0 $0x1;
	_ =	shalt  }
.Lfunc_end2:
_tile_overlayer_lowered:
.L_overlay_start_2:
0x1a1: {  	(tag) =	ssettag $0x2  }
0x1a2: {  	s0 =	rddreg [dreg:$0x0];
	s2 =	stileid.u32  }
0x1a3: {  	s1 =	rddreg [dreg:$0x1];
	p0 =	sne.s32 s2, $0x0  }
0x1a4: {  	s3 =	rddreg [dreg:$0x2];
	[bflag:$0x3] =	sbarrier.arrive $0xFFFF;
	s2 =	simm.s32 @!p0 $0x1C02  }
0x1a5: {  	[timem:s3], [sflag:s2] =	dma.local @!p0 [hbm:s0], s1  }
0x1a6: {  	s0 =	simm.s32 @!p0 $0x2  }
0x1a7: {  	_ =	swait.ge @!p0 [sflag:s0], s1  }
0x1a8: {  	s1 =	ssub.s32 @!p0 $0x0, s1;
	[sflag:s0] =	ssyncset.done @!p0 $0x0  }
0x1a9: {  	[sflag:s0] =	ssyncadd.s32 @!p0 s1  }
0x1aa: {  	[bflag:$0x3] =	sbarrier.arrive $0xFFFF  }
0x1ab: {  	_ =	shalt  }

</sc_bundles>
